<compile_context>
chip_gen: v7x
topology: tpu7x:2x2x1
jax: 0.10.2.dev20260603
libtpu: 0.0.44.dev20260713+nightly
codegen_flags: <defaults>
</compile_context>

<pallas_src>
import functools

import jax
import jax.numpy as jnp
from jax import lax
from jax.experimental import pallas as pl
from jax.experimental.pallas import tpu as pltpu
from jax.experimental.pallas import tpu_sc as plsc

EMB_D = 64
SEQ_L = 2048
BATCH = 4
TOTAL = BATCH * SEQ_L

NUM_CORES = 2
NUM_SUBCORES = 16
NW = NUM_CORES * NUM_SUBCORES
B_PER_W = TOTAL // NW
LANES = 16

_mesh = plsc.VectorSubcoreMesh(core_axis_name="c", subcore_axis_name="s")


@functools.partial(
    pl.kernel,
    mesh=_mesh,
    compiler_params=pltpu.CompilerParams(needs_layout_passes=False),
    out_type=jax.ShapeDtypeStruct((TOTAL, EMB_D), jnp.float32),
    scratch_types=[
        pltpu.VMEM((B_PER_W,), jnp.int32),
        pltpu.VMEM((B_PER_W, EMB_D), jnp.float32),
        pltpu.VMEM((B_PER_W, EMB_D), jnp.float32),
        pltpu.SemaphoreType.DMA,
    ],
)
def _embed_kernel(idx_hbm, tok_hbm, pos_hbm, out_hbm,
                  idx_v, rows_v, pos_v, sem):
    wid = lax.axis_index("s") * NUM_CORES + lax.axis_index("c")
    base = wid * B_PER_W
    l_start = lax.rem(base, SEQ_L)

    pltpu.sync_copy(idx_hbm.at[pl.ds(base, B_PER_W)], idx_v)

    iota = lax.iota(jnp.int32, LANES)

    def fire(g, _):
        idv = idx_v[pl.ds(g * LANES, LANES)]
        for j in range(LANES):
            s = jnp.sum(jnp.where(iota == j, idv, 0))
            pltpu.async_copy(tok_hbm.at[s], rows_v.at[g * LANES + j], sem)
        return ()

    lax.fori_loop(0, B_PER_W // LANES, fire, ())
    pltpu.sync_copy(pos_hbm.at[pl.ds(l_start, B_PER_W)], pos_v)
    pltpu.make_async_copy(tok_hbm.at[pl.ds(0, B_PER_W)], rows_v, sem).wait()

    def add_row(r, _):
        for c in range(EMB_D // LANES):
            sl = pl.ds(c * LANES, LANES)
            rows_v[r, sl] = rows_v[r, sl] + pos_v[r, sl]
        return ()

    lax.fori_loop(0, B_PER_W, add_row, ())

    pltpu.sync_copy(rows_v, out_hbm.at[pl.ds(base, B_PER_W)])


def kernel(token_input_ids, tok_table, pos_table):
    idx = token_input_ids.reshape(TOTAL).astype(jnp.int32)
    out = _embed_kernel(idx, tok_table, pos_table)
    return out.reshape(BATCH, SEQ_L, EMB_D)

# --- scband reference (transcript-rebuilt; emitter-appended) ---
"""Pipeline reference for scband-input-embedding-21457656611218 (READ-ONLY COPY).

The authoritative reference and input builder live on the scoring server;
editing this copy changes nothing except your own understanding.
"""

import jax, jax.numpy as jnp
import numpy as np

VOCAB_SIZE = 1000000
MAX_SEQ_LENGTH = 2048
EMBEDDING_DIM = 64


def setup_inputs(seed: int = 0) -> dict:
    key = jax.random.key(seed)
    k1, k2, k3 = jax.random.split(key, 3)
    token_input_ids = jax.random.randint(k1, (4, 2048), 0, VOCAB_SIZE, dtype=jnp.int64 if jax.config.jax_enable_x64 else jnp.int32)
    tok_table = jax.random.normal(k2, (VOCAB_SIZE, EMBEDDING_DIM), dtype=jnp.float32)
    pos_table = jax.random.normal(k3, (MAX_SEQ_LENGTH, EMBEDDING_DIM), dtype=jnp.float32)
    return {"token_input_ids": token_input_ids, "tok_table": tok_table, "pos_table": pos_table}


def reference(token_input_ids, tok_table, pos_table):
    # token embedding lookup (gather)
    token_embeddings = jnp.take(tok_table, token_input_ids, axis=0)  # [B, L, D]
    seq_length = token_input_ids.shape[1]
    posit_ids = jnp.arange(0, seq_length)
    positional_embeddings = jnp.take(pos_table, posit_ids, axis=0)[None, :, :]  # [1, L, D]
    token_embeddings_with_posit = token_embeddings + positional_embeddings
    return token_embeddings_with_posit

if __name__ == "__main__":
    import jax
    _d = setup_inputs()
    print(jax.jit(kernel)(*tuple(_d.values())))

</pallas_src>

<mosaic_0001>
#map = affine_map<(d0, d1) -> (0)>
#map1 = affine_map<(d0, d1) -> (0, 0)>
module attributes {stable_mosaic.version = 14 : i64} {
  func.func @_embed_kernel(%arg0: i32, %arg1: i32, %arg2: memref<8192xi32, #tpu.memory_space<hbm>>, %arg3: memref<1000000x64xf32, #tpu.memory_space<hbm>>, %arg4: memref<2048x64xf32, #tpu.memory_space<hbm>>, %arg5: memref<8192x64xf32, #tpu.memory_space<hbm>>, %arg6: memref<256xi32, #tpu.memory_space<vmem>>, %arg7: memref<256x64xf32, #tpu.memory_space<vmem>>, %arg8: memref<256x64xf32, #tpu.memory_space<vmem>>, %arg9: memref<!tpu.dma_semaphore, #tpu.memory_space<semaphore_mem>>) attributes {dimension_semantics = [#tpu.dimension_semantics<core_parallel>, #tpu.dimension_semantics<subcore_parallel>], iteration_bounds = array<i64: 2, 16>, scalar_prefetch = 0 : i64, scratch_operands = 4 : i64, tpu.core_type = #tpu.core_type<sc_vector_subcore>, window_params = [{transform_indices = #map}, {transform_indices = #map1}, {transform_indices = #map1}, {transform_indices = #map1}]} {
    %mul3A = arith.constant 2 : i32
    %mul3A_0 = arith.muli %arg1, %mul3A : i32
    %add3A = arith.addi %mul3A_0, %arg0 : i32
    %mul3A_1 = arith.constant 256 : i32
    %mul3A_2 = arith.muli %add3A, %mul3A_1 : i32
    %rem3A = arith.constant 2048 : i32
    %rem3A_3 = arith.remsi %mul3A_2, %rem3A : i32
    "tpu.region"() ({
      %run_scoped3A = tpu.sem_alloc : memref<!tpu.dma_semaphore, #tpu.memory_space<semaphore_mem>>
      %dma_start3A = tpu.memref_slice %arg2[%mul3A_2] : memref<8192xi32, #tpu.memory_space<hbm>> -> memref<256xi32, #tpu.memory_space<hbm>>
      %dma_start3A_18 = tpu.memref_slice %arg2[%mul3A_2] : memref<8192xi32, #tpu.memory_space<hbm>> -> memref<256xi32, #tpu.memory_space<hbm>>
      tpu.enqueue_dma source(%dma_start3A_18 : memref<256xi32, #tpu.memory_space<hbm>>) target(%arg6 : memref<256xi32, #tpu.memory_space<vmem>>) target_semaphore(%run_scoped3A : memref<!tpu.dma_semaphore, #tpu.memory_space<semaphore_mem>>)
      %dma_wait3A_19 = tpu.memref_slice %arg2[%mul3A_2] : memref<8192xi32, #tpu.memory_space<hbm>> -> memref<256xi32, #tpu.memory_space<hbm>>
      %dma_wait3A_20 = tpu.memref_slice %arg2[%mul3A_2] : memref<8192xi32, #tpu.memory_space<hbm>> -> memref<256xi32, #tpu.memory_space<hbm>>
      tpu.wait_dma2 semaphore(%run_scoped3A : memref<!tpu.dma_semaphore, #tpu.memory_space<semaphore_mem>>) src(%dma_wait3A_20 : memref<256xi32, #tpu.memory_space<hbm>>) dst(%arg6 : memref<256xi32, #tpu.memory_space<vmem>>)
      tpu.yield
    }) : () -> ()
    %iota3A = tpu.iota {dimensions = array<i32: 0>} : vector<16xi32>
    %scan3A = arith.constant 0 : i32
    %scan3A_4 = arith.constant 16 : i32
    %scan3A_5 = arith.addi %scan3A, %scan3A_4 : i32
    %scan3A_6 = arith.constant 1 : i32
    scf.for %scan3A_18 = %scan3A to %scan3A_5 step %scan3A_6  : i32 {
      %mul3A_19 = arith.constant 16 : i32
      %mul3A_20 = arith.muli %scan3A_18, %mul3A_19 : i32
      %get3A = arith.index_cast %mul3A_20 : i32 to index
      %get3A_21 = tpu.vector_load %arg6[%get3A] {strides = array<i32>} : memref<256xi32, #tpu.memory_space<vmem>>, vector<16xi32>,
      %eq3A = arith.constant 0 : i32
      %eq3A_22 = vector.broadcast %eq3A : i32 to vector<16xi32>
      %eq3A_23 = arith.cmpi eq, %iota3A, %eq3A_22 : vector<16xi32>
      %jit3A = arith.constant 0 : i32
      %broadcast_in_dim3A = vector.broadcast %jit3A : i32 to vector<16xi32>
      %select_n3A = arith.select %eq3A_23, %get3A_21, %broadcast_in_dim3A : vector<16xi1>, vector<16xi32>
      %reduce_sum3A = arith.constant true
      %reduce_sum3A_24 = vector.broadcast %reduce_sum3A : i1 to vector<16xi1>
      %reduce_sum3A_25 = tpu.scan <sum>, %select_n3A masked %reduce_sum3A_24 : vector<16xi32>, vector<16xi1> -> vector<16xi32>
      %reduce_sum3A_26 = vector.extract %reduce_sum3A_25[15] : i32 from vector<16xi32>
      %mul3A_27 = arith.constant 16 : i32
      %mul3A_28 = arith.muli %scan3A_18, %mul3A_27 : i32
      %add3A_29 = arith.constant 0 : i32
      %add3A_30 = arith.addi %mul3A_28, %add3A_29 : i32
      %dma_start3A = arith.constant 0 : i32
      %dma_start3A_31 = tpu.memref_slice %arg7[%add3A_30, %dma_start3A] : memref<256x64xf32, #tpu.memory_space<vmem>> -> memref<1x64xf32, #tpu.memory_space<vmem>>
      %dma_start3A_32 = tpu.memref_squeeze %dma_start3A_31 : memref<1x64xf32, #tpu.memory_space<vmem>> -> memref<64xf32, #tpu.memory_space<vmem>>
      %dma_start3A_33 = arith.constant 0 : i32
      %dma_start3A_34 = tpu.memref_slice %arg3[%reduce_sum3A_26, %dma_start3A_33] : memref<1000000x64xf32, #tpu.memory_space<hbm>> -> memref<1x64xf32, #tpu.memory_space<hbm>>
      %dma_start3A_35 = tpu.memref_squeeze %dma_start3A_34 : memref<1x64xf32, #tpu.memory_space<hbm>> -> memref<64xf32, #tpu.memory_space<hbm>>
      %dma_start3A_36 = arith.constant 0 : i32
      %dma_start3A_37 = tpu.memref_slice %arg7[%add3A_30, %dma_start3A_36] : memref<256x64xf32, #tpu.memory_space<vmem>> -> memref<1x64xf32, #tpu.memory_space<vmem>>
      %dma_start3A_38 = tpu.memref_squeeze %dma_start3A_37 : memref<1x64xf32, #tpu.memory_space<vmem>> -> memref<64xf32, #tpu.memory_space<vmem>>
      %dma_start3A_39 = arith.constant 0 : i32
      %dma_start3A_40 = tpu.memref_slice %arg3[%reduce_sum3A_26, %dma_start3A_39] : memref<1000000x64xf32, #tpu.memory_space<hbm>> -> memref<1x64xf32, #tpu.memory_space<hbm>>
      %dma_start3A_41 = tpu.memref_squeeze %dma_start3A_40 : memref<1x64xf32, #tpu.memory_space<hbm>> -> memref<64xf32, #tpu.memory_space<hbm>>
      tpu.enqueue_dma source(%dma_start3A_41 : memref<64xf32, #tpu.memory_space<hbm>>) target(%dma_start3A_38 : memref<64xf32, #tpu.memory_space<vmem>>) target_semaphore(%arg9 : memref<!tpu.dma_semaphore, #tpu.memory_space<semaphore_mem>>)
      %eq3A_42 = arith.constant 1 : i32
      %eq3A_43 = vector.broadcast %eq3A_42 : i32 to vector<16xi32>
      %eq3A_44 = arith.cmpi eq, %iota3A, %eq3A_43 : vector<16xi32>
      %jit3A_45 = arith.constant 0 : i32
      %broadcast_in_dim3A_46 = vector.broadcast %jit3A_45 : i32 to vector<16xi32>
      %select_n3A_47 = arith.select %eq3A_44, %get3A_21, %broadcast_in_dim3A_46 : vector<16xi1>, vector<16xi32>
      %reduce_sum3A_48 = arith.constant true
      %reduce_sum3A_49 = vector.broadcast %reduce_sum3A_48 : i1 to vector<16xi1>
      %reduce_sum3A_50 = tpu.scan <sum>, %select_n3A_47 masked %reduce_sum3A_49 : vector<16xi32>, vector<16xi1> -> vector<16xi32>
      %reduce_sum3A_51 = vector.extract %reduce_sum3A_50[15] : i32 from vector<16xi32>
      %mul3A_52 = arith.constant 16 : i32
      %mul3A_53 = arith.muli %scan3A_18, %mul3A_52 : i32
      %add3A_54 = arith.constant 1 : i32
      %add3A_55 = arith.addi %mul3A_53, %add3A_54 : i32
      %dma_start3A_56 = arith.constant 0 : i32
      %dma_start3A_57 = tpu.memref_slice %arg7[%add3A_55, %dma_start3A_56] : memref<256x64xf32, #tpu.memory_space<vmem>> -> memref<1x64xf32, #tpu.memory_space<vmem>>
      %dma_start3A_58 = tpu.memref_squeeze %dma_start3A_57 : memref<1x64xf32, #tpu.memory_space<vmem>> -> memref<64xf32, #tpu.memory_space<vmem>>
      %dma_start3A_59 = arith.constant 0 : i32
      %dma_start3A_60 = tpu.memref_slice %arg3[%reduce_sum3A_51, %dma_start3A_59] : memref<1000000x64xf32, #tpu.memory_space<hbm>> -> memref<1x64xf32, #tpu.memory_space<hbm>>
      %dma_start3A_61 = tpu.memref_squeeze %dma_start3A_60 : memref<1x64xf32, #tpu.memory_space<hbm>> -> memref<64xf32, #tpu.memory_space<hbm>>
      %dma_start3A_62 = arith.constant 0 : i32
      %dma_start3A_63 = tpu.memref_slice %arg7[%add3A_55, %dma_start3A_62] : memref<256x64xf32, #tpu.memory_space<vmem>> -> memref<1x64xf32, #tpu.memory_space<vmem>>
      %dma_start3A_64 = tpu.memref_squeeze %dma_start3A_63 : memref<1x64xf32, #tpu.memory_space<vmem>> -> memref<64xf32, #tpu.memory_space<vmem>>
      %dma_start3A_65 = arith.constant 0 : i32
      %dma_start3A_66 = tpu.memref_slice %arg3[%reduce_sum3A_51, %dma_start3A_65] : memref<1000000x64xf32, #tpu.memory_space<hbm>> -> memref<1x64xf32, #tpu.memory_space<hbm>>
      %dma_start3A_67 = tpu.memref_squeeze %dma_start3A_66 : memref<1x64xf32, #tpu.memory_space<hbm>> -> memref<64xf32, #tpu.memory_space<hbm>>
      tpu.enqueue_dma source(%dma_start3A_67 : memref<64xf32, #tpu.memory_space<hbm>>) target(%dma_start3A_64 : memref<64xf32, #tpu.memory_space<vmem>>) target_semaphore(%arg9 : memref<!tpu.dma_semaphore, #tpu.memory_space<semaphore_mem>>)
      %eq3A_68 = arith.constant 2 : i32
      %eq3A_69 = vector.broadcast %eq3A_68 : i32 to vector<16xi32>
      %eq3A_70 = arith.cmpi eq, %iota3A, %eq3A_69 : vector<16xi32>
      %jit3A_71 = arith.constant 0 : i32
      %broadcast_in_dim3A_72 = vector.broadcast %jit3A_71 : i32 to vector<16xi32>
      %select_n3A_73 = arith.select %eq3A_70, %get3A_21, %broadcast_in_dim3A_72 : vector<16xi1>, vector<16xi32>
      %reduce_sum3A_74 = arith.constant true
      %reduce_sum3A_75 = vector.broadcast %reduce_sum3A_74 : i1 to vector<16xi1>
      %reduce_sum3A_76 = tpu.scan <sum>, %select_n3A_73 masked %reduce_sum3A_75 : vector<16xi32>, vector<16xi1> -> vector<16xi32>
      %reduce_sum3A_77 = vector.extract %reduce_sum3A_76[15] : i32 from vector<16xi32>
      %mul3A_78 = arith.constant 16 : i32
      %mul3A_79 = arith.muli %scan3A_18, %mul3A_78 : i32
      %add3A_80 = arith.constant 2 : i32
      %add3A_81 = arith.addi %mul3A_79, %add3A_80 : i32
      %dma_start3A_82 = arith.constant 0 : i32
      %dma_start3A_83 = tpu.memref_slice %arg7[%add3A_81, %dma_start3A_82] : memref<256x64xf32, #tpu.memory_space<vmem>> -> memref<1x64xf32, #tpu.memory_space<vmem>>
      %dma_start3A_84 = tpu.memref_squeeze %dma_start3A_83 : memref<1x64xf32, #tpu.memory_space<vmem>> -> memref<64xf32, #tpu.memory_space<vmem>>
      %dma_start3A_85 = arith.constant 0 : i32
      %dma_start3A_86 = tpu.memref_slice %arg3[%reduce_sum3A_77, %dma_start3A_85] : memref<1000000x64xf32, #tpu.memory_space<hbm>> -> memref<1x64xf32, #tpu.memory_space<hbm>>
      %dma_start3A_87 = tpu.memref_squeeze %dma_start3A_86 : memref<1x64xf32, #tpu.memory_space<hbm>> -> memref<64xf32, #tpu.memory_space<hbm>>
      %dma_start3A_88 = arith.constant 0 : i32
      %dma_start3A_89 = tpu.memref_slice %arg7[%add3A_81, %dma_start3A_88] : memref<256x64xf32, #tpu.memory_space<vmem>> -> memref<1x64xf32, #tpu.memory_space<vmem>>
      %dma_start3A_90 = tpu.memref_squeeze %dma_start3A_89 : memref<1x64xf32, #tpu.memory_space<vmem>> -> memref<64xf32, #tpu.memory_space<vmem>>
      %dma_start3A_91 = arith.constant 0 : i32
      %dma_start3A_92 = tpu.memref_slice %arg3[%reduce_sum3A_77, %dma_start3A_91] : memref<1000000x64xf32, #tpu.memory_space<hbm>> -> memref<1x64xf32, #tpu.memory_space<hbm>>
      %dma_start3A_93 = tpu.memref_squeeze %dma_start3A_92 : memref<1x64xf32, #tpu.memory_space<hbm>> -> memref<64xf32, #tpu.memory_space<hbm>>
      tpu.enqueue_dma source(%dma_start3A_93 : memref<64xf32, #tpu.memory_space<hbm>>) target(%dma_start3A_90 : memref<64xf32, #tpu.memory_space<vmem>>) target_semaphore(%arg9 : memref<!tpu.dma_semaphore, #tpu.memory_space<semaphore_mem>>)
      %eq3A_94 = arith.constant 3 : i32
      %eq3A_95 = vector.broadcast %eq3A_94 : i32 to vector<16xi32>
      %eq3A_96 = arith.cmpi eq, %iota3A, %eq3A_95 : vector<16xi32>
      %jit3A_97 = arith.constant 0 : i32
      %broadcast_in_dim3A_98 = vector.broadcast %jit3A_97 : i32 to vector<16xi32>
      %select_n3A_99 = arith.select %eq3A_96, %get3A_21, %broadcast_in_dim3A_98 : vector<16xi1>, vector<16xi32>
      %reduce_sum3A_100 = arith.constant true
      %reduce_sum3A_101 = vector.broadcast %reduce_sum3A_100 : i1 to vector<16xi1>
      %reduce_sum3A_102 = tpu.scan <sum>, %select_n3A_99 masked %reduce_sum3A_101 : vector<16xi32>, vector<16xi1> -> vector<16xi32>
      %reduce_sum3A_103 = vector.extract %reduce_sum3A_102[15] : i32 from vector<16xi32>
      %mul3A_104 = arith.constant 16 : i32
      %mul3A_105 = arith.muli %scan3A_18, %mul3A_104 : i32
      %add3A_106 = arith.constant 3 : i32
      %add3A_107 = arith.addi %mul3A_105, %add3A_106 : i32
      %dma_start3A_108 = arith.constant 0 : i32
      %dma_start3A_109 = tpu.memref_slice %arg7[%add3A_107, %dma_start3A_108] : memref<256x64xf32, #tpu.memory_space<vmem>> -> memref<1x64xf32, #tpu.memory_space<vmem>>
      %dma_start3A_110 = tpu.memref_squeeze %dma_start3A_109 : memref<1x64xf32, #tpu.memory_space<vmem>> -> memref<64xf32, #tpu.memory_space<vmem>>
      %dma_start3A_111 = arith.constant 0 : i32
      %dma_start3A_112 = tpu.memref_slice %arg3[%reduce_sum3A_103, %dma_start3A_111] : memref<1000000x64xf32, #tpu.memory_space<hbm>> -> memref<1x64xf32, #tpu.memory_space<hbm>>
      %dma_start3A_113 = tpu.memref_squeeze %dma_start3A_112 : memref<1x64xf32, #tpu.memory_space<hbm>> -> memref<64xf32, #tpu.memory_space<hbm>>
      %dma_start3A_114 = arith.constant 0 : i32
      %dma_start3A_115 = tpu.memref_slice %arg7[%add3A_107, %dma_start3A_114] : memref<256x64xf32, #tpu.memory_space<vmem>> -> memref<1x64xf32, #tpu.memory_space<vmem>>
      %dma_start3A_116 = tpu.memref_squeeze %dma_start3A_115 : memref<1x64xf32, #tpu.memory_space<vmem>> -> memref<64xf32, #tpu.memory_space<vmem>>
      %dma_start3A_117 = arith.constant 0 : i32
      %dma_start3A_118 = tpu.memref_slice %arg3[%reduce_sum3A_103, %dma_start3A_117] : memref<1000000x64xf32, #tpu.memory_space<hbm>> -> memref<1x64xf32, #tpu.memory_space<hbm>>
      %dma_start3A_119 = tpu.memref_squeeze %dma_start3A_118 : memref<1x64xf32, #tpu.memory_space<hbm>> -> memref<64xf32, #tpu.memory_space<hbm>>
      tpu.enqueue_dma source(%dma_start3A_119 : memref<64xf32, #tpu.memory_space<hbm>>) target(%dma_start3A_116 : memref<64xf32, #tpu.memory_space<vmem>>) target_semaphore(%arg9 : memref<!tpu.dma_semaphore, #tpu.memory_space<semaphore_mem>>)
      %eq3A_120 = arith.constant 4 : i32
      %eq3A_121 = vector.broadcast %eq3A_120 : i32 to vector<16xi32>
      %eq3A_122 = arith.cmpi eq, %iota3A, %eq3A_121 : vector<16xi32>
      %jit3A_123 = arith.constant 0 : i32
      %broadcast_in_dim3A_124 = vector.broadcast %jit3A_123 : i32 to vector<16xi32>
      %select_n3A_125 = arith.select %eq3A_122, %get3A_21, %broadcast_in_dim3A_124 : vector<16xi1>, vector<16xi32>
      %reduce_sum3A_126 = arith.constant true
      %reduce_sum3A_127 = vector.broadcast %reduce_sum3A_126 : i1 to vector<16xi1>
      %reduce_sum3A_128 = tpu.scan <sum>, %select_n3A_125 masked %reduce_sum3A_127 : vector<16xi32>, vector<16xi1> -> vector<16xi32>
      %reduce_sum3A_129 = vector.extract %reduce_sum3A_128[15] : i32 from vector<16xi32>
      %mul3A_130 = arith.constant 16 : i32
      %mul3A_131 = arith.muli %scan3A_18, %mul3A_130 : i32
      %add3A_132 = arith.constant 4 : i32
      %add3A_133 = arith.addi %mul3A_131, %add3A_132 : i32
      %dma_start3A_134 = arith.constant 0 : i32
      %dma_start3A_135 = tpu.memref_slice %arg7[%add3A_133, %dma_start3A_134] : memref<256x64xf32, #tpu.memory_space<vmem>> -> memref<1x64xf32, #tpu.memory_space<vmem>>
      %dma_start3A_136 = tpu.memref_squeeze %dma_start3A_135 : memref<1x64xf32, #tpu.memory_space<vmem>> -> memref<64xf32, #tpu.memory_space<vmem>>
      %dma_start3A_137 = arith.constant 0 : i32
      %dma_start3A_138 = tpu.memref_slice %arg3[%reduce_sum3A_129, %dma_start3A_137] : memref<1000000x64xf32, #tpu.memory_space<hbm>> -> memref<1x64xf32, #tpu.memory_space<hbm>>
      %dma_start3A_139 = tpu.memref_squeeze %dma_start3A_138 : memref<1x64xf32, #tpu.memory_space<hbm>> -> memref<64xf32, #tpu.memory_space<hbm>>
      %dma_start3A_140 = arith.constant 0 : i32
      %dma_start3A_141 = tpu.memref_slice %arg7[%add3A_133, %dma_start3A_140] : memref<256x64xf32, #tpu.memory_space<vmem>> -> memref<1x64xf32, #tpu.memory_space<vmem>>
      %dma_start3A_142 = tpu.memref_squeeze %dma_start3A_141 : memref<1x64xf32, #tpu.memory_space<vmem>> -> memref<64xf32, #tpu.memory_space<vmem>>
      %dma_start3A_143 = arith.constant 0 : i32
      %dma_start3A_144 = tpu.memref_slice %arg3[%reduce_sum3A_129, %dma_start3A_143] : memref<1000000x64xf32, #tpu.memory_space<hbm>> -> memref<1x64xf32, #tpu.memory_space<hbm>>
      %dma_start3A_145 = tpu.memref_squeeze %dma_start3A_144 : memref<1x64xf32, #tpu.memory_space<hbm>> -> memref<64xf32, #tpu.memory_space<hbm>>
      tpu.enqueue_dma source(%dma_start3A_145 : memref<64xf32, #tpu.memory_space<hbm>>) target(%dma_start3A_142 : memref<64xf32, #tpu.memory_space<vmem>>) target_semaphore(%arg9 : memref<!tpu.dma_semaphore, #tpu.memory_space<semaphore_mem>>)
      %eq3A_146 = arith.constant 5 : i32
      %eq3A_147 = vector.broadcast %eq3A_146 : i32 to vector<16xi32>
      %eq3A_148 = arith.cmpi eq, %iota3A, %eq3A_147 : vector<16xi32>
      %jit3A_149 = arith.constant 0 : i32
      %broadcast_in_dim3A_150 = vector.broadcast %jit3A_149 : i32 to vector<16xi32>
      %select_n3A_151 = arith.select %eq3A_148, %get3A_21, %broadcast_in_dim3A_150 : vector<16xi1>, vector<16xi32>
      %reduce_sum3A_152 = arith.constant true
      %reduce_sum3A_153 = vector.broadcast %reduce_sum3A_152 : i1 to vector<16xi1>
      %reduce_sum3A_154 = tpu.scan <sum>, %select_n3A_151 masked %reduce_sum3A_153 : vector<16xi32>, vector<16xi1> -> vector<16xi32>
      %reduce_sum3A_155 = vector.extract %reduce_sum3A_154[15] : i32 from vector<16xi32>
      %mul3A_156 = arith.constant 16 : i32
      %mul3A_157 = arith.muli %scan3A_18, %mul3A_156 : i32
      %add3A_158 = arith.constant 5 : i32
      %add3A_159 = arith.addi %mul3A_157, %add3A_158 : i32
      %dma_start3A_160 = arith.constant 0 : i32
      %dma_start3A_161 = tpu.memref_slice %arg7[%add3A_159, %dma_start3A_160] : memref<256x64xf32, #tpu.memory_space<vmem>> -> memref<1x64xf32, #tpu.memory_space<vmem>>
      %dma_start3A_162 = tpu.memref_squeeze %dma_start3A_161 : memref<1x64xf32, #tpu.memory_space<vmem>> -> memref<64xf32, #tpu.memory_space<vmem>>
      %dma_start3A_163 = arith.constant 0 : i32
      %dma_start3A_164 = tpu.memref_slice %arg3[%reduce_sum3A_155, %dma_start3A_163] : memref<1000000x64xf32, #tpu.memory_space<hbm>> -> memref<1x64xf32, #tpu.memory_space<hbm>>
      %dma_start3A_165 = tpu.memref_squeeze %dma_start3A_164 : memref<1x64xf32, #tpu.memory_space<hbm>> -> memref<64xf32, #tpu.memory_space<hbm>>
      %dma_start3A_166 = arith.constant 0 : i32
      %dma_start3A_167 = tpu.memref_slice %arg7[%add3A_159, %dma_start3A_166] : memref<256x64xf32, #tpu.memory_space<vmem>> -> memref<1x64xf32, #tpu.memory_space<vmem>>
      %dma_start3A_168 = tpu.memref_squeeze %dma_start3A_167 : memref<1x64xf32, #tpu.memory_space<vmem>> -> memref<64xf32, #tpu.memory_space<vmem>>
      %dma_start3A_169 = arith.constant 0 : i32
      %dma_start3A_170 = tpu.memref_slice %arg3[%reduce_sum3A_155, %dma_start3A_169] : memref<1000000x64xf32, #tpu.memory_space<hbm>> -> memref<1x64xf32, #tpu.memory_space<hbm>>
      %dma_start3A_171 = tpu.memref_squeeze %dma_start3A_170 : memref<1x64xf32, #tpu.memory_space<hbm>> -> memref<64xf32, #tpu.memory_space<hbm>>
      tpu.enqueue_dma source(%dma_start3A_171 : memref<64xf32, #tpu.memory_space<hbm>>) target(%dma_start3A_168 : memref<64xf32, #tpu.memory_space<vmem>>) target_semaphore(%arg9 : memref<!tpu.dma_semaphore, #tpu.memory_space<semaphore_mem>>)
      %eq3A_172 = arith.constant 6 : i32
      %eq3A_173 = vector.broadcast %eq3A_172 : i32 to vector<16xi32>
      %eq3A_174 = arith.cmpi eq, %iota3A, %eq3A_173 : vector<16xi32>
      %jit3A_175 = arith.constant 0 : i32
      %broadcast_in_dim3A_176 = vector.broadcast %jit3A_175 : i32 to vector<16xi32>
      %select_n3A_177 = arith.select %eq3A_174, %get3A_21, %broadcast_in_dim3A_176 : vector<16xi1>, vector<16xi32>
      %reduce_sum3A_178 = arith.constant true
      %reduce_sum3A_179 = vector.broadcast %reduce_sum3A_178 : i1 to vector<16xi1>
      %reduce_sum3A_180 = tpu.scan <sum>, %select_n3A_177 masked %reduce_sum3A_179 : vector<16xi32>, vector<16xi1> -> vector<16xi32>
      %reduce_sum3A_181 = vector.extract %reduce_sum3A_180[15] : i32 from vector<16xi32>
      %mul3A_182 = arith.constant 16 : i32
      %mul3A_183 = arith.muli %scan3A_18, %mul3A_182 : i32
      %add3A_184 = arith.constant 6 : i32
      %add3A_185 = arith.addi %mul3A_183, %add3A_184 : i32
      %dma_start3A_186 = arith.constant 0 : i32
      %dma_start3A_187 = tpu.memref_slice %arg7[%add3A_185, %dma_start3A_186] : memref<256x64xf32, #tpu.memory_space<vmem>> -> memref<1x64xf32, #tpu.memory_space<vmem>>
      %dma_start3A_188 = tpu.memref_squeeze %dma_start3A_187 : memref<1x64xf32, #tpu.memory_space<vmem>> -> memref<64xf32, #tpu.memory_space<vmem>>
      %dma_start3A_189 = arith.constant 0 : i32
      %dma_start3A_190 = tpu.memref_slice %arg3[%reduce_sum3A_181, %dma_start3A_189] : memref<1000000x64xf32, #tpu.memory_space<hbm>> -> memref<1x64xf32, #tpu.memory_space<hbm>>
      %dma_start3A_191 = tpu.memref_squeeze %dma_start3A_190 : memref<1x64xf32, #tpu.memory_space<hbm>> -> memref<64xf32, #tpu.memory_space<hbm>>
      %dma_start3A_192 = arith.constant 0 : i32
      %dma_start3A_193 = tpu.memref_slice %arg7[%add3A_185, %dma_start3A_192] : memref<256x64xf32, #tpu.memory_space<vmem>> -> memref<1x64xf32, #tpu.memory_space<vmem>>
      %dma_start3A_194 = tpu.memref_squeeze %dma_start3A_193 : memref<1x64xf32, #tpu.memory_space<vmem>> -> memref<64xf32, #tpu.memory_space<vmem>>
      %dma_start3A_195 = arith.constant 0 : i32
      %dma_start3A_196 = tpu.memref_slice %arg3[%reduce_sum3A_181, %dma_start3A_195] : memref<1000000x64xf32, #tpu.memory_space<hbm>> -> memref<1x64xf32, #tpu.memory_space<hbm>>
      %dma_start3A_197 = tpu.memref_squeeze %dma_start3A_196 : memref<1x64xf32, #tpu.memory_space<hbm>> -> memref<64xf32, #tpu.memory_space<hbm>>
      tpu.enqueue_dma source(%dma_start3A_197 : memref<64xf32, #tpu.memory_space<hbm>>) target(%dma_start3A_194 : memref<64xf32, #tpu.memory_space<vmem>>) target_semaphore(%arg9 : memref<!tpu.dma_semaphore, #tpu.memory_space<semaphore_mem>>)
      %eq3A_198 = arith.constant 7 : i32
      %eq3A_199 = vector.broadcast %eq3A_198 : i32 to vector<16xi32>
      %eq3A_200 = arith.cmpi eq, %iota3A, %eq3A_199 : vector<16xi32>
      %jit3A_201 = arith.constant 0 : i32
      %broadcast_in_dim3A_202 = vector.broadcast %jit3A_201 : i32 to vector<16xi32>
      %select_n3A_203 = arith.select %eq3A_200, %get3A_21, %broadcast_in_dim3A_202 : vector<16xi1>, vector<16xi32>
      %reduce_sum3A_204 = arith.constant true
      %reduce_sum3A_205 = vector.broadcast %reduce_sum3A_204 : i1 to vector<16xi1>
      %reduce_sum3A_206 = tpu.scan <sum>, %select_n3A_203 masked %reduce_sum3A_205 : vector<16xi32>, vector<16xi1> -> vector<16xi32>
      %reduce_sum3A_207 = vector.extract %reduce_sum3A_206[15] : i32 from vector<16xi32>
      %mul3A_208 = arith.constant 16 : i32
      %mul3A_209 = arith.muli %scan3A_18, %mul3A_208 : i32
      %add3A_210 = arith.constant 7 : i32
      %add3A_211 = arith.addi %mul3A_209, %add3A_210 : i32
      %dma_start3A_212 = arith.constant 0 : i32
      %dma_start3A_213 = tpu.memref_slice %arg7[%add3A_211, %dma_start3A_212] : memref<256x64xf32, #tpu.memory_space<vmem>> -> memref<1x64xf32, #tpu.memory_space<vmem>>
      %dma_start3A_214 = tpu.memref_squeeze %dma_start3A_213 : memref<1x64xf32, #tpu.memory_space<vmem>> -> memref<64xf32, #tpu.memory_space<vmem>>
      %dma_start3A_215 = arith.constant 0 : i32
      %dma_start3A_216 = tpu.memref_slice %arg3[%reduce_sum3A_207, %dma_start3A_215] : memref<1000000x64xf32, #tpu.memory_space<hbm>> -> memref<1x64xf32, #tpu.memory_space<hbm>>
      %dma_start3A_217 = tpu.memref_squeeze %dma_start3A_216 : memref<1x64xf32, #tpu.memory_space<hbm>> -> memref<64xf32, #tpu.memory_space<hbm>>
      %dma_start3A_218 = arith.constant 0 : i32
      %dma_start3A_219 = tpu.memref_slice %arg7[%add3A_211, %dma_start3A_218] : memref<256x64xf32, #tpu.memory_space<vmem>> -> memref<1x64xf32, #tpu.memory_space<vmem>>
      %dma_start3A_220 = tpu.memref_squeeze %dma_start3A_219 : memref<1x64xf32, #tpu.memory_space<vmem>> -> memref<64xf32, #tpu.memory_space<vmem>>
      %dma_start3A_221 = arith.constant 0 : i32
      %dma_start3A_222 = tpu.memref_slice %arg3[%reduce_sum3A_207, %dma_start3A_221] : memref<1000000x64xf32, #tpu.memory_space<hbm>> -> memref<1x64xf32, #tpu.memory_space<hbm>>
      %dma_start3A_223 = tpu.memref_squeeze %dma_start3A_222 : memref<1x64xf32, #tpu.memory_space<hbm>> -> memref<64xf32, #tpu.memory_space<hbm>>
      tpu.enqueue_dma source(%dma_start3A_223 : memref<64xf32, #tpu.memory_space<hbm>>) target(%dma_start3A_220 : memref<64xf32, #tpu.memory_space<vmem>>) target_semaphore(%arg9 : memref<!tpu.dma_semaphore, #tpu.memory_space<semaphore_mem>>)
      %eq3A_224 = arith.constant 8 : i32
      %eq3A_225 = vector.broadcast %eq3A_224 : i32 to vector<16xi32>
      %eq3A_226 = arith.cmpi eq, %iota3A, %eq3A_225 : vector<16xi32>
      %jit3A_227 = arith.constant 0 : i32
      %broadcast_in_dim3A_228 = vector.broadcast %jit3A_227 : i32 to vector<16xi32>
      %select_n3A_229 = arith.select %eq3A_226, %get3A_21, %broadcast_in_dim3A_228 : vector<16xi1>, vector<16xi32>
      %reduce_sum3A_230 = arith.constant true
      %reduce_sum3A_231 = vector.broadcast %reduce_sum3A_230 : i1 to vector<16xi1>
      %reduce_sum3A_232 = tpu.scan <sum>, %select_n3A_229 masked %reduce_sum3A_231 : vector<16xi32>, vector<16xi1> -> vector<16xi32>
      %reduce_sum3A_233 = vector.extract %reduce_sum3A_232[15] : i32 from vector<16xi32>
      %mul3A_234 = arith.constant 16 : i32
      %mul3A_235 = arith.muli %scan3A_18, %mul3A_234 : i32
      %add3A_236 = arith.constant 8 : i32
      %add3A_237 = arith.addi %mul3A_235, %add3A_236 : i32
      %dma_start3A_238 = arith.constant 0 : i32
      %dma_start3A_239 = tpu.memref_slice %arg7[%add3A_237, %dma_start3A_238] : memref<256x64xf32, #tpu.memory_space<vmem>> -> memref<1x64xf32, #tpu.memory_space<vmem>>
      %dma_start3A_240 = tpu.memref_squeeze %dma_start3A_239 : memref<1x64xf32, #tpu.memory_space<vmem>> -> memref<64xf32, #tpu.memory_space<vmem>>
      %dma_start3A_241 = arith.constant 0 : i32
      %dma_start3A_242 = tpu.memref_slice %arg3[%reduce_sum3A_233, %dma_start3A_241] : memref<1000000x64xf32, #tpu.memory_space<hbm>> -> memref<1x64xf32, #tpu.memory_space<hbm>>
      %dma_start3A_243 = tpu.memref_squeeze %dma_start3A_242 : memref<1x64xf32, #tpu.memory_space<hbm>> -> memref<64xf32, #tpu.memory_space<hbm>>
      %dma_start3A_244 = arith.constant 0 : i32
      %dma_start3A_245 = tpu.memref_slice %arg7[%add3A_237, %dma_start3A_244] : memref<256x64xf32, #tpu.memory_space<vmem>> -> memref<1x64xf32, #tpu.memory_space<vmem>>
      %dma_start3A_246 = tpu.memref_squeeze %dma_start3A_245 : memref<1x64xf32, #tpu.memory_space<vmem>> -> memref<64xf32, #tpu.memory_space<vmem>>
      %dma_start3A_247 = arith.constant 0 : i32
      %dma_start3A_248 = tpu.memref_slice %arg3[%reduce_sum3A_233, %dma_start3A_247] : memref<1000000x64xf32, #tpu.memory_space<hbm>> -> memref<1x64xf32, #tpu.memory_space<hbm>>
      %dma_start3A_249 = tpu.memref_squeeze %dma_start3A_248 : memref<1x64xf32, #tpu.memory_space<hbm>> -> memref<64xf32, #tpu.memory_space<hbm>>
      tpu.enqueue_dma source(%dma_start3A_249 : memref<64xf32, #tpu.memory_space<hbm>>) target(%dma_start3A_246 : memref<64xf32, #tpu.memory_space<vmem>>) target_semaphore(%arg9 : memref<!tpu.dma_semaphore, #tpu.memory_space<semaphore_mem>>)
      %eq3A_250 = arith.constant 9 : i32
      %eq3A_251 = vector.broadcast %eq3A_250 : i32 to vector<16xi32>
      %eq3A_252 = arith.cmpi eq, %iota3A, %eq3A_251 : vector<16xi32>
      %jit3A_253 = arith.constant 0 : i32
      %broadcast_in_dim3A_254 = vector.broadcast %jit3A_253 : i32 to vector<16xi32>
      %select_n3A_255 = arith.select %eq3A_252, %get3A_21, %broadcast_in_dim3A_254 : vector<16xi1>, vector<16xi32>
      %reduce_sum3A_256 = arith.constant true
      %reduce_sum3A_257 = vector.broadcast %reduce_sum3A_256 : i1 to vector<16xi1>
      %reduce_sum3A_258 = tpu.scan <sum>, %select_n3A_255 masked %reduce_sum3A_257 : vector<16xi32>, vector<16xi1> -> vector<16xi32>
      %reduce_sum3A_259 = vector.extract %reduce_sum3A_258[15] : i32 from vector<16xi32>
      %mul3A_260 = arith.constant 16 : i32
      %mul3A_261 = arith.muli %scan3A_18, %mul3A_260 : i32
      %add3A_262 = arith.constant 9 : i32
      %add3A_263 = arith.addi %mul3A_261, %add3A_262 : i32
      %dma_start3A_264 = arith.constant 0 : i32
      %dma_start3A_265 = tpu.memref_slice %arg7[%add3A_263, %dma_start3A_264] : memref<256x64xf32, #tpu.memory_space<vmem>> -> memref<1x64xf32, #tpu.memory_space<vmem>>
      %dma_start3A_266 = tpu.memref_squeeze %dma_start3A_265 : memref<1x64xf32, #tpu.memory_space<vmem>> -> memref<64xf32, #tpu.memory_space<vmem>>
      %dma_start3A_267 = arith.constant 0 : i32
      %dma_start3A_268 = tpu.memref_slice %arg3[%reduce_sum3A_259, %dma_start3A_267] : memref<1000000x64xf32, #tpu.memory_space<hbm>> -> memref<1x64xf32, #tpu.memory_space<hbm>>
      %dma_start3A_269 = tpu.memref_squeeze %dma_start3A_268 : memref<1x64xf32, #tpu.memory_space<hbm>> -> memref<64xf32, #tpu.memory_space<hbm>>
      %dma_start3A_270 = arith.constant 0 : i32
      %dma_start3A_271 = tpu.memref_slice %arg7[%add3A_263, %dma_start3A_270] : memref<256x64xf32, #tpu.memory_space<vmem>> -> memref<1x64xf32, #tpu.memory_space<vmem>>
      %dma_start3A_272 = tpu.memref_squeeze %dma_start3A_271 : memref<1x64xf32, #tpu.memory_space<vmem>> -> memref<64xf32, #tpu.memory_space<vmem>>
      %dma_start3A_273 = arith.constant 0 : i32
      %dma_start3A_274 = tpu.memref_slice %arg3[%reduce_sum3A_259, %dma_start3A_273] : memref<1000000x64xf32, #tpu.memory_space<hbm>> -> memref<1x64xf32, #tpu.memory_space<hbm>>
      %dma_start3A_275 = tpu.memref_squeeze %dma_start3A_274 : memref<1x64xf32, #tpu.memory_space<hbm>> -> memref<64xf32, #tpu.memory_space<hbm>>
      tpu.enqueue_dma source(%dma_start3A_275 : memref<64xf32, #tpu.memory_space<hbm>>) target(%dma_start3A_272 : memref<64xf32, #tpu.memory_space<vmem>>) target_semaphore(%arg9 : memref<!tpu.dma_semaphore, #tpu.memory_space<semaphore_mem>>)
      %eq3A_276 = arith.constant 10 : i32
      %eq3A_277 = vector.broadcast %eq3A_276 : i32 to vector<16xi32>
      %eq3A_278 = arith.cmpi eq, %iota3A, %eq3A_277 : vector<16xi32>
      %jit3A_279 = arith.constant 0 : i32
      %broadcast_in_dim3A_280 = vector.broadcast %jit3A_279 : i32 to vector<16xi32>
      %select_n3A_281 = arith.select %eq3A_278, %get3A_21, %broadcast_in_dim3A_280 : vector<16xi1>, vector<16xi32>
      %reduce_sum3A_282 = arith.constant true
      %reduce_sum3A_283 = vector.broadcast %reduce_sum3A_282 : i1 to vector<16xi1>
      %reduce_sum3A_284 = tpu.scan <sum>, %select_n3A_281 masked %reduce_sum3A_283 : vector<16xi32>, vector<16xi1> -> vector<16xi32>
      %reduce_sum3A_285 = vector.extract %reduce_sum3A_284[15] : i32 from vector<16xi32>
      %mul3A_286 = arith.constant 16 : i32
      %mul3A_287 = arith.muli %scan3A_18, %mul3A_286 : i32
      %add3A_288 = arith.constant 10 : i32
      %add3A_289 = arith.addi %mul3A_287, %add3A_288 : i32
      %dma_start3A_290 = arith.constant 0 : i32
      %dma_start3A_291 = tpu.memref_slice %arg7[%add3A_289, %dma_start3A_290] : memref<256x64xf32, #tpu.memory_space<vmem>> -> memref<1x64xf32, #tpu.memory_space<vmem>>
      %dma_start3A_292 = tpu.memref_squeeze %dma_start3A_291 : memref<1x64xf32, #tpu.memory_space<vmem>> -> memref<64xf32, #tpu.memory_space<vmem>>
      %dma_start3A_293 = arith.constant 0 : i32
      %dma_start3A_294 = tpu.memref_slice %arg3[%reduce_sum3A_285, %dma_start3A_293] : memref<1000000x64xf32, #tpu.memory_space<hbm>> -> memref<1x64xf32, #tpu.memory_space<hbm>>
      %dma_start3A_295 = tpu.memref_squeeze %dma_start3A_294 : memref<1x64xf32, #tpu.memory_space<hbm>> -> memref<64xf32, #tpu.memory_space<hbm>>
      %dma_start3A_296 = arith.constant 0 : i32
      %dma_start3A_297 = tpu.memref_slice %arg7[%add3A_289, %dma_start3A_296] : memref<256x64xf32, #tpu.memory_space<vmem>> -> memref<1x64xf32, #tpu.memory_space<vmem>>
      %dma_start3A_298 = tpu.memref_squeeze %dma_start3A_297 : memref<1x64xf32, #tpu.memory_space<vmem>> -> memref<64xf32, #tpu.memory_space<vmem>>
      %dma_start3A_299 = arith.constant 0 : i32
      %dma_start3A_300 = tpu.memref_slice %arg3[%reduce_sum3A_285, %dma_start3A_299] : memref<1000000x64xf32, #tpu.memory_space<hbm>> -> memref<1x64xf32, #tpu.memory_space<hbm>>
      %dma_start3A_301 = tpu.memref_squeeze %dma_start3A_300 : memref<1x64xf32, #tpu.memory_space<hbm>> -> memref<64xf32, #tpu.memory_space<hbm>>
      tpu.enqueue_dma source(%dma_start3A_301 : memref<64xf32, #tpu.memory_space<hbm>>) target(%dma_start3A_298 : memref<64xf32, #tpu.memory_space<vmem>>) target_semaphore(%arg9 : memref<!tpu.dma_semaphore, #tpu.memory_space<semaphore_mem>>)
      %eq3A_302 = arith.constant 11 : i32
      %eq3A_303 = vector.broadcast %eq3A_302 : i32 to vector<16xi32>
      %eq3A_304 = arith.cmpi eq, %iota3A, %eq3A_303 : vector<16xi32>
      %jit3A_305 = arith.constant 0 : i32
      %broadcast_in_dim3A_306 = vector.broadcast %jit3A_305 : i32 to vector<16xi32>
      %select_n3A_307 = arith.select %eq3A_304, %get3A_21, %broadcast_in_dim3A_306 : vector<16xi1>, vector<16xi32>
      %reduce_sum3A_308 = arith.constant true
      %reduce_sum3A_309 = vector.broadcast %reduce_sum3A_308 : i1 to vector<16xi1>
      %reduce_sum3A_310 = tpu.scan <sum>, %select_n3A_307 masked %reduce_sum3A_309 : vector<16xi32>, vector<16xi1> -> vector<16xi32>
      %reduce_sum3A_311 = vector.extract %reduce_sum3A_310[15] : i32 from vector<16xi32>
      %mul3A_312 = arith.constant 16 : i32
      %mul3A_313 = arith.muli %scan3A_18, %mul3A_312 : i32
      %add3A_314 = arith.constant 11 : i32
      %add3A_315 = arith.addi %mul3A_313, %add3A_314 : i32
      %dma_start3A_316 = arith.constant 0 : i32
      %dma_start3A_317 = tpu.memref_slice %arg7[%add3A_315, %dma_start3A_316] : memref<256x64xf32, #tpu.memory_space<vmem>> -> memref<1x64xf32, #tpu.memory_space<vmem>>
      %dma_start3A_318 = tpu.memref_squeeze %dma_start3A_317 : memref<1x64xf32, #tpu.memory_space<vmem>> -> memref<64xf32, #tpu.memory_space<vmem>>
      %dma_start3A_319 = arith.constant 0 : i32
      %dma_start3A_320 = tpu.memref_slice %arg3[%reduce_sum3A_311, %dma_start3A_319] : memref<1000000x64xf32, #tpu.memory_space<hbm>> -> memref<1x64xf32, #tpu.memory_space<hbm>>
      %dma_start3A_321 = tpu.memref_squeeze %dma_start3A_320 : memref<1x64xf32, #tpu.memory_space<hbm>> -> memref<64xf32, #tpu.memory_space<hbm>>
      %dma_start3A_322 = arith.constant 0 : i32
      %dma_start3A_323 = tpu.memref_slice %arg7[%add3A_315, %dma_start3A_322] : memref<256x64xf32, #tpu.memory_space<vmem>> -> memref<1x64xf32, #tpu.memory_space<vmem>>
      %dma_start3A_324 = tpu.memref_squeeze %dma_start3A_323 : memref<1x64xf32, #tpu.memory_space<vmem>> -> memref<64xf32, #tpu.memory_space<vmem>>
      %dma_start3A_325 = arith.constant 0 : i32
      %dma_start3A_326 = tpu.memref_slice %arg3[%reduce_sum3A_311, %dma_start3A_325] : memref<1000000x64xf32, #tpu.memory_space<hbm>> -> memref<1x64xf32, #tpu.memory_space<hbm>>
      %dma_start3A_327 = tpu.memref_squeeze %dma_start3A_326 : memref<1x64xf32, #tpu.memory_space<hbm>> -> memref<64xf32, #tpu.memory_space<hbm>>
      tpu.enqueue_dma source(%dma_start3A_327 : memref<64xf32, #tpu.memory_space<hbm>>) target(%dma_start3A_324 : memref<64xf32, #tpu.memory_space<vmem>>) target_semaphore(%arg9 : memref<!tpu.dma_semaphore, #tpu.memory_space<semaphore_mem>>)
      %eq3A_328 = arith.constant 12 : i32
      %eq3A_329 = vector.broadcast %eq3A_328 : i32 to vector<16xi32>
      %eq3A_330 = arith.cmpi eq, %iota3A, %eq3A_329 : vector<16xi32>
      %jit3A_331 = arith.constant 0 : i32
      %broadcast_in_dim3A_332 = vector.broadcast %jit3A_331 : i32 to vector<16xi32>
      %select_n3A_333 = arith.select %eq3A_330, %get3A_21, %broadcast_in_dim3A_332 : vector<16xi1>, vector<16xi32>
      %reduce_sum3A_334 = arith.constant true
      %reduce_sum3A_335 = vector.broadcast %reduce_sum3A_334 : i1 to vector<16xi1>
      %reduce_sum3A_336 = tpu.scan <sum>, %select_n3A_333 masked %reduce_sum3A_335 : vector<16xi32>, vector<16xi1> -> vector<16xi32>
      %reduce_sum3A_337 = vector.extract %reduce_sum3A_336[15] : i32 from vector<16xi32>
      %mul3A_338 = arith.constant 16 : i32
      %mul3A_339 = arith.muli %scan3A_18, %mul3A_338 : i32
      %add3A_340 = arith.constant 12 : i32
      %add3A_341 = arith.addi %mul3A_339, %add3A_340 : i32
      %dma_start3A_342 = arith.constant 0 : i32
      %dma_start3A_343 = tpu.memref_slice %arg7[%add3A_341, %dma_start3A_342] : memref<256x64xf32, #tpu.memory_space<vmem>> -> memref<1x64xf32, #tpu.memory_space<vmem>>
      %dma_start3A_344 = tpu.memref_squeeze %dma_start3A_343 : memref<1x64xf32, #tpu.memory_space<vmem>> -> memref<64xf32, #tpu.memory_space<vmem>>
      %dma_start3A_345 = arith.constant 0 : i32
      %dma_start3A_346 = tpu.memref_slice %arg3[%reduce_sum3A_337, %dma_start3A_345] : memref<1000000x64xf32, #tpu.memory_space<hbm>> -> memref<1x64xf32, #tpu.memory_space<hbm>>
      %dma_start3A_347 = tpu.memref_squeeze %dma_start3A_346 : memref<1x64xf32, #tpu.memory_space<hbm>> -> memref<64xf32, #tpu.memory_space<hbm>>
      %dma_start3A_348 = arith.constant 0 : i32
      %dma_start3A_349 = tpu.memref_slice %arg7[%add3A_341, %dma_start3A_348] : memref<256x64xf32, #tpu.memory_space<vmem>> -> memref<1x64xf32, #tpu.memory_space<vmem>>
      %dma_start3A_350 = tpu.memref_squeeze %dma_start3A_349 : memref<1x64xf32, #tpu.memory_space<vmem>> -> memref<64xf32, #tpu.memory_space<vmem>>
      %dma_start3A_351 = arith.constant 0 : i32
      %dma_start3A_352 = tpu.memref_slice %arg3[%reduce_sum3A_337, %dma_start3A_351] : memref<1000000x64xf32, #tpu.memory_space<hbm>> -> memref<1x64xf32, #tpu.memory_space<hbm>>
      %dma_start3A_353 = tpu.memref_squeeze %dma_start3A_352 : memref<1x64xf32, #tpu.memory_space<hbm>> -> memref<64xf32, #tpu.memory_space<hbm>>
      tpu.enqueue_dma source(%dma_start3A_353 : memref<64xf32, #tpu.memory_space<hbm>>) target(%dma_start3A_350 : memref<64xf32, #tpu.memory_space<vmem>>) target_semaphore(%arg9 : memref<!tpu.dma_semaphore, #tpu.memory_space<semaphore_mem>>)
      %eq3A_354 = arith.constant 13 : i32
      %eq3A_355 = vector.broadcast %eq3A_354 : i32 to vector<16xi32>
      %eq3A_356 = arith.cmpi eq, %iota3A, %eq3A_355 : vector<16xi32>
      %jit3A_357 = arith.constant 0 : i32
      %broadcast_in_dim3A_358 = vector.broadcast %jit3A_357 : i32 to vector<16xi32>
      %select_n3A_359 = arith.select %eq3A_356, %get3A_21, %broadcast_in_dim3A_358 : vector<16xi1>, vector<16xi32>
      %reduce_sum3A_360 = arith.constant true
      %reduce_sum3A_361 = vector.broadcast %reduce_sum3A_360 : i1 to vector<16xi1>
      %reduce_sum3A_362 = tpu.scan <sum>, %select_n3A_359 masked %reduce_sum3A_361 : vector<16xi32>, vector<16xi1> -> vector<16xi32>
      %reduce_sum3A_363 = vector.extract %reduce_sum3A_362[15] : i32 from vector<16xi32>
      %mul3A_364 = arith.constant 16 : i32
      %mul3A_365 = arith.muli %scan3A_18, %mul3A_364 : i32
      %add3A_366 = arith.constant 13 : i32
      %add3A_367 = arith.addi %mul3A_365, %add3A_366 : i32
      %dma_start3A_368 = arith.constant 0 : i32
      %dma_start3A_369 = tpu.memref_slice %arg7[%add3A_367, %dma_start3A_368] : memref<256x64xf32, #tpu.memory_space<vmem>> -> memref<1x64xf32, #tpu.memory_space<vmem>>
      %dma_start3A_370 = tpu.memref_squeeze %dma_start3A_369 : memref<1x64xf32, #tpu.memory_space<vmem>> -> memref<64xf32, #tpu.memory_space<vmem>>
      %dma_start3A_371 = arith.constant 0 : i32
      %dma_start3A_372 = tpu.memref_slice %arg3[%reduce_sum3A_363, %dma_start3A_371] : memref<1000000x64xf32, #tpu.memory_space<hbm>> -> memref<1x64xf32, #tpu.memory_space<hbm>>
      %dma_start3A_373 = tpu.memref_squeeze %dma_start3A_372 : memref<1x64xf32, #tpu.memory_space<hbm>> -> memref<64xf32, #tpu.memory_space<hbm>>
      %dma_start3A_374 = arith.constant 0 : i32
      %dma_start3A_375 = tpu.memref_slice %arg7[%add3A_367, %dma_start3A_374] : memref<256x64xf32, #tpu.memory_space<vmem>> -> memref<1x64xf32, #tpu.memory_space<vmem>>
      %dma_start3A_376 = tpu.memref_squeeze %dma_start3A_375 : memref<1x64xf32, #tpu.memory_space<vmem>> -> memref<64xf32, #tpu.memory_space<vmem>>
      %dma_start3A_377 = arith.constant 0 : i32
      %dma_start3A_378 = tpu.memref_slice %arg3[%reduce_sum3A_363, %dma_start3A_377] : memref<1000000x64xf32, #tpu.memory_space<hbm>> -> memref<1x64xf32, #tpu.memory_space<hbm>>
      %dma_start3A_379 = tpu.memref_squeeze %dma_start3A_378 : memref<1x64xf32, #tpu.memory_space<hbm>> -> memref<64xf32, #tpu.memory_space<hbm>>
      tpu.enqueue_dma source(%dma_start3A_379 : memref<64xf32, #tpu.memory_space<hbm>>) target(%dma_start3A_376 : memref<64xf32, #tpu.memory_space<vmem>>) target_semaphore(%arg9 : memref<!tpu.dma_semaphore, #tpu.memory_space<semaphore_mem>>)
      %eq3A_380 = arith.constant 14 : i32
      %eq3A_381 = vector.broadcast %eq3A_380 : i32 to vector<16xi32>
      %eq3A_382 = arith.cmpi eq, %iota3A, %eq3A_381 : vector<16xi32>
      %jit3A_383 = arith.constant 0 : i32
      %broadcast_in_dim3A_384 = vector.broadcast %jit3A_383 : i32 to vector<16xi32>
      %select_n3A_385 = arith.select %eq3A_382, %get3A_21, %broadcast_in_dim3A_384 : vector<16xi1>, vector<16xi32>
      %reduce_sum3A_386 = arith.constant true
      %reduce_sum3A_387 = vector.broadcast %reduce_sum3A_386 : i1 to vector<16xi1>
      %reduce_sum3A_388 = tpu.scan <sum>, %select_n3A_385 masked %reduce_sum3A_387 : vector<16xi32>, vector<16xi1> -> vector<16xi32>
      %reduce_sum3A_389 = vector.extract %reduce_sum3A_388[15] : i32 from vector<16xi32>
      %mul3A_390 = arith.constant 16 : i32
      %mul3A_391 = arith.muli %scan3A_18, %mul3A_390 : i32
      %add3A_392 = arith.constant 14 : i32
      %add3A_393 = arith.addi %mul3A_391, %add3A_392 : i32
      %dma_start3A_394 = arith.constant 0 : i32
      %dma_start3A_395 = tpu.memref_slice %arg7[%add3A_393, %dma_start3A_394] : memref<256x64xf32, #tpu.memory_space<vmem>> -> memref<1x64xf32, #tpu.memory_space<vmem>>
      %dma_start3A_396 = tpu.memref_squeeze %dma_start3A_395 : memref<1x64xf32, #tpu.memory_space<vmem>> -> memref<64xf32, #tpu.memory_space<vmem>>
      %dma_start3A_397 = arith.constant 0 : i32
      %dma_start3A_398 = tpu.memref_slice %arg3[%reduce_sum3A_389, %dma_start3A_397] : memref<1000000x64xf32, #tpu.memory_space<hbm>> -> memref<1x64xf32, #tpu.memory_space<hbm>>
      %dma_start3A_399 = tpu.memref_squeeze %dma_start3A_398 : memref<1x64xf32, #tpu.memory_space<hbm>> -> memref<64xf32, #tpu.memory_space<hbm>>
      %dma_start3A_400 = arith.constant 0 : i32
      %dma_start3A_401 = tpu.memref_slice %arg7[%add3A_393, %dma_start3A_400] : memref<256x64xf32, #tpu.memory_space<vmem>> -> memref<1x64xf32, #tpu.memory_space<vmem>>
      %dma_start3A_402 = tpu.memref_squeeze %dma_start3A_401 : memref<1x64xf32, #tpu.memory_space<vmem>> -> memref<64xf32, #tpu.memory_space<vmem>>
      %dma_start3A_403 = arith.constant 0 : i32
      %dma_start3A_404 = tpu.memref_slice %arg3[%reduce_sum3A_389, %dma_start3A_403] : memref<1000000x64xf32, #tpu.memory_space<hbm>> -> memref<1x64xf32, #tpu.memory_space<hbm>>
      %dma_start3A_405 = tpu.memref_squeeze %dma_start3A_404 : memref<1x64xf32, #tpu.memory_space<hbm>> -> memref<64xf32, #tpu.memory_space<hbm>>
      tpu.enqueue_dma source(%dma_start3A_405 : memref<64xf32, #tpu.memory_space<hbm>>) target(%dma_start3A_402 : memref<64xf32, #tpu.memory_space<vmem>>) target_semaphore(%arg9 : memref<!tpu.dma_semaphore, #tpu.memory_space<semaphore_mem>>)
      %eq3A_406 = arith.constant 15 : i32
      %eq3A_407 = vector.broadcast %eq3A_406 : i32 to vector<16xi32>
      %eq3A_408 = arith.cmpi eq, %iota3A, %eq3A_407 : vector<16xi32>
      %jit3A_409 = arith.constant 0 : i32
      %broadcast_in_dim3A_410 = vector.broadcast %jit3A_409 : i32 to vector<16xi32>
      %select_n3A_411 = arith.select %eq3A_408, %get3A_21, %broadcast_in_dim3A_410 : vector<16xi1>, vector<16xi32>
      %reduce_sum3A_412 = arith.constant true
      %reduce_sum3A_413 = vector.broadcast %reduce_sum3A_412 : i1 to vector<16xi1>
      %reduce_sum3A_414 = tpu.scan <sum>, %select_n3A_411 masked %reduce_sum3A_413 : vector<16xi32>, vector<16xi1> -> vector<16xi32>
      %reduce_sum3A_415 = vector.extract %reduce_sum3A_414[15] : i32 from vector<16xi32>
      %mul3A_416 = arith.constant 16 : i32
      %mul3A_417 = arith.muli %scan3A_18, %mul3A_416 : i32
      %add3A_418 = arith.constant 15 : i32
      %add3A_419 = arith.addi %mul3A_417, %add3A_418 : i32
      %dma_start3A_420 = arith.constant 0 : i32
      %dma_start3A_421 = tpu.memref_slice %arg7[%add3A_419, %dma_start3A_420] : memref<256x64xf32, #tpu.memory_space<vmem>> -> memref<1x64xf32, #tpu.memory_space<vmem>>
      %dma_start3A_422 = tpu.memref_squeeze %dma_start3A_421 : memref<1x64xf32, #tpu.memory_space<vmem>> -> memref<64xf32, #tpu.memory_space<vmem>>
      %dma_start3A_423 = arith.constant 0 : i32
      %dma_start3A_424 = tpu.memref_slice %arg3[%reduce_sum3A_415, %dma_start3A_423] : memref<1000000x64xf32, #tpu.memory_space<hbm>> -> memref<1x64xf32, #tpu.memory_space<hbm>>
      %dma_start3A_425 = tpu.memref_squeeze %dma_start3A_424 : memref<1x64xf32, #tpu.memory_space<hbm>> -> memref<64xf32, #tpu.memory_space<hbm>>
      %dma_start3A_426 = arith.constant 0 : i32
      %dma_start3A_427 = tpu.memref_slice %arg7[%add3A_419, %dma_start3A_426] : memref<256x64xf32, #tpu.memory_space<vmem>> -> memref<1x64xf32, #tpu.memory_space<vmem>>
      %dma_start3A_428 = tpu.memref_squeeze %dma_start3A_427 : memref<1x64xf32, #tpu.memory_space<vmem>> -> memref<64xf32, #tpu.memory_space<vmem>>
      %dma_start3A_429 = arith.constant 0 : i32
      %dma_start3A_430 = tpu.memref_slice %arg3[%reduce_sum3A_415, %dma_start3A_429] : memref<1000000x64xf32, #tpu.memory_space<hbm>> -> memref<1x64xf32, #tpu.memory_space<hbm>>
      %dma_start3A_431 = tpu.memref_squeeze %dma_start3A_430 : memref<1x64xf32, #tpu.memory_space<hbm>> -> memref<64xf32, #tpu.memory_space<hbm>>
      tpu.enqueue_dma source(%dma_start3A_431 : memref<64xf32, #tpu.memory_space<hbm>>) target(%dma_start3A_428 : memref<64xf32, #tpu.memory_space<vmem>>) target_semaphore(%arg9 : memref<!tpu.dma_semaphore, #tpu.memory_space<semaphore_mem>>)
    }
    %scan3A_7 = arith.constant 16 : i32
    "tpu.region"() ({
      %run_scoped3A = tpu.sem_alloc : memref<!tpu.dma_semaphore, #tpu.memory_space<semaphore_mem>>
      %dma_start3A = arith.constant 0 : i32
      %dma_start3A_18 = tpu.memref_slice %arg4[%rem3A_3, %dma_start3A] : memref<2048x64xf32, #tpu.memory_space<hbm>> -> memref<256x64xf32, #tpu.memory_space<hbm>>
      %dma_start3A_19 = arith.constant 0 : i32
      %dma_start3A_20 = tpu.memref_slice %arg4[%rem3A_3, %dma_start3A_19] : memref<2048x64xf32, #tpu.memory_space<hbm>> -> memref<256x64xf32, #tpu.memory_space<hbm>>
      tpu.enqueue_dma source(%dma_start3A_20 : memref<256x64xf32, #tpu.memory_space<hbm>>) target(%arg8 : memref<256x64xf32, #tpu.memory_space<vmem>>) target_semaphore(%run_scoped3A : memref<!tpu.dma_semaphore, #tpu.memory_space<semaphore_mem>>)
      %dma_wait3A_21 = arith.constant 0 : i32
      %dma_wait3A_22 = tpu.memref_slice %arg4[%rem3A_3, %dma_wait3A_21] : memref<2048x64xf32, #tpu.memory_space<hbm>> -> memref<256x64xf32, #tpu.memory_space<hbm>>
      %dma_wait3A_23 = arith.constant 0 : i32
      %dma_wait3A_24 = tpu.memref_slice %arg4[%rem3A_3, %dma_wait3A_23] : memref<2048x64xf32, #tpu.memory_space<hbm>> -> memref<256x64xf32, #tpu.memory_space<hbm>>
      tpu.wait_dma2 semaphore(%run_scoped3A : memref<!tpu.dma_semaphore, #tpu.memory_space<semaphore_mem>>) src(%dma_wait3A_24 : memref<256x64xf32, #tpu.memory_space<hbm>>) dst(%arg8 : memref<256x64xf32, #tpu.memory_space<vmem>>)
      tpu.yield
    }) : () -> ()
    %dma_wait3A = arith.constant 0 : i32
    %dma_wait3A_8 = arith.constant 0 : i32
    %dma_wait3A_9 = tpu.memref_slice %arg3[%dma_wait3A, %dma_wait3A_8] : memref<1000000x64xf32, #tpu.memory_space<hbm>> -> memref<256x64xf32, #tpu.memory_space<hbm>>
    %dma_wait3A_10 = arith.constant 0 : i32
    %dma_wait3A_11 = arith.constant 0 : i32
    %dma_wait3A_12 = tpu.memref_slice %arg3[%dma_wait3A_10, %dma_wait3A_11] : memref<1000000x64xf32, #tpu.memory_space<hbm>> -> memref<256x64xf32, #tpu.memory_space<hbm>>
    tpu.wait_dma2 semaphore(%arg9 : memref<!tpu.dma_semaphore, #tpu.memory_space<semaphore_mem>>) src(%dma_wait3A_12 : memref<256x64xf32, #tpu.memory_space<hbm>>) dst(%arg7 : memref<256x64xf32, #tpu.memory_space<vmem>>)
    %scan3A_13 = arith.constant 0 : i32
    %scan3A_14 = arith.constant 256 : i32
    %scan3A_15 = arith.addi %scan3A_13, %scan3A_14 : i32
    %scan3A_16 = arith.constant 1 : i32
    scf.for %scan3A_18 = %scan3A_13 to %scan3A_15 step %scan3A_16  : i32 {
      %get3A = arith.index_cast %scan3A_18 : i32 to index
      %get3A_19 = arith.constant 0 : index
      %get3A_20 = tpu.vector_load %arg7[%get3A, %get3A_19] {strides = array<i32>} : memref<256x64xf32, #tpu.memory_space<vmem>>, vector<16xf32>,
      %get3A_21 = arith.index_cast %scan3A_18 : i32 to index
      %get3A_22 = arith.constant 0 : index
      %get3A_23 = tpu.vector_load %arg8[%get3A_21, %get3A_22] {strides = array<i32>} : memref<256x64xf32, #tpu.memory_space<vmem>>, vector<16xf32>,
      %add3A_24 = arith.addf %get3A_20, %get3A_23 : vector<16xf32>
      %swap3A = arith.index_cast %scan3A_18 : i32 to index
      %swap3A_25 = arith.constant 0 : index
      %swap3A_26 = tpu.vector_load %arg7[%swap3A, %swap3A_25] {strides = array<i32>} : memref<256x64xf32, #tpu.memory_space<vmem>>, vector<16xf32>,
      tpu.vector_store %arg7[%swap3A, %swap3A_25], %add3A_24 {strides = array<i32>} : memref<256x64xf32, #tpu.memory_space<vmem>>, vector<16xf32>,
      %get3A_27 = arith.index_cast %scan3A_18 : i32 to index
      %get3A_28 = arith.constant 16 : index
      %get3A_29 = tpu.vector_load %arg7[%get3A_27, %get3A_28] {strides = array<i32>} : memref<256x64xf32, #tpu.memory_space<vmem>>, vector<16xf32>,
      %get3A_30 = arith.index_cast %scan3A_18 : i32 to index
      %get3A_31 = arith.constant 16 : index
      %get3A_32 = tpu.vector_load %arg8[%get3A_30, %get3A_31] {strides = array<i32>} : memref<256x64xf32, #tpu.memory_space<vmem>>, vector<16xf32>,
      %add3A_33 = arith.addf %get3A_29, %get3A_32 : vector<16xf32>
      %swap3A_34 = arith.index_cast %scan3A_18 : i32 to index
      %swap3A_35 = arith.constant 16 : index
      %swap3A_36 = tpu.vector_load %arg7[%swap3A_34, %swap3A_35] {strides = array<i32>} : memref<256x64xf32, #tpu.memory_space<vmem>>, vector<16xf32>,
      tpu.vector_store %arg7[%swap3A_34, %swap3A_35], %add3A_33 {strides = array<i32>} : memref<256x64xf32, #tpu.memory_space<vmem>>, vector<16xf32>,
      %get3A_37 = arith.index_cast %scan3A_18 : i32 to index
      %get3A_38 = arith.constant 32 : index
      %get3A_39 = tpu.vector_load %arg7[%get3A_37, %get3A_38] {strides = array<i32>} : memref<256x64xf32, #tpu.memory_space<vmem>>, vector<16xf32>,
      %get3A_40 = arith.index_cast %scan3A_18 : i32 to index
      %get3A_41 = arith.constant 32 : index
      %get3A_42 = tpu.vector_load %arg8[%get3A_40, %get3A_41] {strides = array<i32>} : memref<256x64xf32, #tpu.memory_space<vmem>>, vector<16xf32>,
      %add3A_43 = arith.addf %get3A_39, %get3A_42 : vector<16xf32>
      %swap3A_44 = arith.index_cast %scan3A_18 : i32 to index
      %swap3A_45 = arith.constant 32 : index
      %swap3A_46 = tpu.vector_load %arg7[%swap3A_44, %swap3A_45] {strides = array<i32>} : memref<256x64xf32, #tpu.memory_space<vmem>>, vector<16xf32>,
      tpu.vector_store %arg7[%swap3A_44, %swap3A_45], %add3A_43 {strides = array<i32>} : memref<256x64xf32, #tpu.memory_space<vmem>>, vector<16xf32>,
      %get3A_47 = arith.index_cast %scan3A_18 : i32 to index
      %get3A_48 = arith.constant 48 : index
      %get3A_49 = tpu.vector_load %arg7[%get3A_47, %get3A_48] {strides = array<i32>} : memref<256x64xf32, #tpu.memory_space<vmem>>, vector<16xf32>,
      %get3A_50 = arith.index_cast %scan3A_18 : i32 to index
      %get3A_51 = arith.constant 48 : index
      %get3A_52 = tpu.vector_load %arg8[%get3A_50, %get3A_51] {strides = array<i32>} : memref<256x64xf32, #tpu.memory_space<vmem>>, vector<16xf32>,
      %add3A_53 = arith.addf %get3A_49, %get3A_52 : vector<16xf32>
      %swap3A_54 = arith.index_cast %scan3A_18 : i32 to index
      %swap3A_55 = arith.constant 48 : index
      %swap3A_56 = tpu.vector_load %arg7[%swap3A_54, %swap3A_55] {strides = array<i32>} : memref<256x64xf32, #tpu.memory_space<vmem>>, vector<16xf32>,
      tpu.vector_store %arg7[%swap3A_54, %swap3A_55], %add3A_53 {strides = array<i32>} : memref<256x64xf32, #tpu.memory_space<vmem>>, vector<16xf32>,
    }
    %scan3A_17 = arith.constant 256 : i32
    "tpu.region"() ({
      %run_scoped3A = tpu.sem_alloc : memref<!tpu.dma_semaphore, #tpu.memory_space<semaphore_mem>>
      %dma_start3A = arith.constant 0 : i32
      %dma_start3A_18 = tpu.memref_slice %arg5[%mul3A_2, %dma_start3A] : memref<8192x64xf32, #tpu.memory_space<hbm>> -> memref<256x64xf32, #tpu.memory_space<hbm>>
      %dma_start3A_19 = arith.constant 0 : i32
      %dma_start3A_20 = tpu.memref_slice %arg5[%mul3A_2, %dma_start3A_19] : memref<8192x64xf32, #tpu.memory_space<hbm>> -> memref<256x64xf32, #tpu.memory_space<hbm>>
      tpu.enqueue_dma source(%arg7 : memref<256x64xf32, #tpu.memory_space<vmem>>) target(%dma_start3A_20 : memref<256x64xf32, #tpu.memory_space<hbm>>) target_semaphore(%run_scoped3A : memref<!tpu.dma_semaphore, #tpu.memory_space<semaphore_mem>>)
      %dma_wait3A_21 = arith.constant 0 : i32
      %dma_wait3A_22 = tpu.memref_slice %arg5[%mul3A_2, %dma_wait3A_21] : memref<8192x64xf32, #tpu.memory_space<hbm>> -> memref<256x64xf32, #tpu.memory_space<hbm>>
      %dma_wait3A_23 = arith.constant 0 : i32
      %dma_wait3A_24 = tpu.memref_slice %arg5[%mul3A_2, %dma_wait3A_23] : memref<8192x64xf32, #tpu.memory_space<hbm>> -> memref<256x64xf32, #tpu.memory_space<hbm>>
      tpu.wait_dma2 semaphore(%run_scoped3A : memref<!tpu.dma_semaphore, #tpu.memory_space<semaphore_mem>>) src(%arg7 : memref<256x64xf32, #tpu.memory_space<vmem>>) dst(%dma_wait3A_24 : memref<256x64xf32, #tpu.memory_space<hbm>>)
      tpu.yield
    }) : () -> ()
    return
  }
}

</mosaic_0001>

<sc_bundles>
// kernel: kernel.3.cloned.1.call-start
scs
__scs_entry_jumppad:
0x0: {  	(pc) =	sbr.rel $0x88, $3  }
0x1: {  	(tag) =	ssettag $0x0;
	lr =	simm.s32 $0x1  }
0x2: {  	[smem:$0x3F9E] =	sst lr;
	_ =	strace $0xD0000000  }
0x3: {  	_ = 	snop  }
0x4: {  	_ = 	snop  }
0x5: {  	_ = 	snop  }
0x6: {  	_ = 	snop  }
0x7: {  	_ = 	snop  }
__scs_overlays_trampoline_lowered:
0x8: {  	[smem:$0x3FAD] =	sst s0  }
0x9: {  	[smem:$0x3FAE] =	sst s1  }
0xa: {  	[smem:$0x3FAF] =	sst s2  }
0xb: {  	[smem:$0x3FB0] =	sst s3  }
0xc: {  	[smem:$0x3FB1] =	sst s4  }
0xd: {  	[smem:$0x3FB2] =	sst s5  }
0xe: {  	[smem:$0x3FB3] =	sst s6  }
0xf: {  	[smem:$0x3FB4] =	sst s7  }
0x10: {  	[smem:$0x3FB5] =	sst s8  }
0x11: {  	[smem:$0x3FB6] =	sst s9;
	s0 =	simm.s32 @!p0 $0x0  }
0x12: {  	s1 =	sld [smem:$0x3F9C];
	s0 =	simm.s32 @p0 $0x1  }
0x13: {  	[smem:$0x3FB7] =	sst s0;
	s0 =	simm.s32 @!p1 $0x0  }
0x14: {  	s2 =	sld [smem:$0x3F9B];
	s0 =	simm.s32 @p1 $0x1  }
0x15: {  	[smem:$0x3FB8] =	sst s0;
	s0 =	simm.s32 @!p2 $0x0  }
0x16: {  	s3 =	sld [smem:$0x3FDB];
	s0 =	simm.s32 @p2 $0x1  }
0x17: {  	s4 =	simm.s32 $0x1BF5;
	[smem:$0x3FBA] =	sst s0  }
0x18: {  	s0 =	sld [smem:$0x3F9D];
	_ =	swait.ge [sflag:s4], $0x0  }
0x19: {  	s7 =	sld [smem:$0x3F9E]  }
0x1a: {  	s8 =	sadd.s32 $0xFFFFE003, lr  }
0x1b: {  	s9 =	sadd.s32 $0xFFFFFEF7, lr;
	s5 =	simm.s32 $0xFFFFFFFF;
	p2 =	slt.u32 s8, $0xFFFFF086  }
0x1c: {  	p1 =	slt.u32 s9, $0xF7A;
	s5 =	simm.s32 @!p2 $0x0  }
0x1d: {  	s5 =	simm.s32 @p1 $0x1;
	p0 =	seq.s32 s7, s2  }
0x1e: {  	s7 =	smul.u32 @!p0 $0xF7A, s2;
	p2 =	seq.s32 @!p0 s5, $0x0  }
0x1f: {  	s9 =	smul.u32 $0xF7A, s1;
	s8 =	simm.s32 @!p0 $0x1BF5;
	p2 =	por !p2, p0  }
0x20: {  	[sflag:s8] =	ssyncset.s32 @!p0 $0xFFFFF086;
	s6 =	sadd.s32 @!p0 s3, s7;
	s7 =	simm.s32 @!p0 $0x108  }
0x21: {  	s3 =	sadd.s32 s3, s9;
	s6 =	sadd.s32 @!p0 $0x88, s6;
	s7 =	simm.s32 @p2 $0x1082  }
0x22: {  	[simem:s7], [sflag:s8] =	dma.local @!p0 [hbm:s6], $0xF7A  }
0x23: {  	s9 =	sor.u32 $0xD0000000, s2;
	s6 =	simm.s32 $0x108;
	_ =	swait.ge @!p0 [sflag:s8], $0x0  }
0x24: {  	s3 =	sadd.s32 $0x88, s3;
	s6 =	simm.s32 @!p1 $0x1082;
	[sflag:s4] =	ssyncset.s32 $0xFFFFF086  }
0x25: {  	[simem:s6], [sflag:s4] =	dma.local [hbm:s3], $0xF7A  }
0x26: {  	[smem:$0x3F9E] =	sst s1;
	(tag) =	ssettag s2;
	_ =	strace s9  }
0x27: {  	s1 =	sld [smem:$0x3FAE]  }
0x28: {  	s2 =	sld [smem:$0x3FAF]  }
0x29: {  	s4 =	sld [smem:$0x3FB1]  }
0x2a: {  	p0 =	seq.s32 s5, $0x0;
	s5 =	sld [smem:$0x3FB2]  }
0x2b: {  	s6 =	sld [smem:$0x3FB3]  }
0x2c: {  	s7 =	sld [smem:$0x3FB4]  }
0x2d: {  	s3 =	simm.s32 $0x108;
	s8 =	sld [smem:$0x3FB5]  }
0x2e: {  	s3 =	simm.s32 @!p0 $0x1082;
	s9 =	sld [smem:$0x3FB6]  }
0x2f: {  	lr =	sadd.s32 s0, s3;
	s0 =	sld [smem:$0x3FAD]  }
0x30: {  	s3 =	sld [smem:$0x3FB0]  }
0x31: {  	[smem:$0x3FB9] =	sst s10  }
0x32: {  	s10 =	sld [smem:$0x3FB7];
	_ =	sdelay $0x3  }
0x33: {  	p0 =	seq.s32 s10, $0x1;
	s10 =	sld [smem:$0x3FB9];
	_ =	sdelay $0x3  }
0x34: {  	[smem:$0x3FB9] =	sst s10  }
0x35: {  	s10 =	sld [smem:$0x3FB8];
	_ =	sdelay $0x3  }
0x36: {  	p1 =	seq.s32 s10, $0x1;
	s10 =	sld [smem:$0x3FB9];
	_ =	sdelay $0x3  }
0x37: {  	[smem:$0x3FB9] =	sst s10  }
0x38: {  	s10 =	sld [smem:$0x3FBA]  }
0x39: {  	_ = 	snop;
	(pc) =	sbr.ind lr, $3  }
0x3a: {  	_ = 	snop  }
0x3b: {  	_ = 	snop  }
0x3c: {  	p2 =	seq.s32 s10, $0x1;
	s10 =	sld [smem:$0x3FB9]  }
0x3d: {  	_ =	shalt  }
0x3e: {  	_ =	shalt  }
0x3f: {  	_ =	shalt  }
0x40: {  	_ =	shalt  }
0x41: {  	_ =	shalt  }
0x42: {  	_ =	shalt  }
0x43: {  	_ =	shalt  }
0x44: {  	_ =	shalt  }
0x45: {  	_ =	shalt  }
0x46: {  	_ =	shalt  }
0x47: {  	_ =	shalt  }
0x48: {  	_ =	shalt  }
0x49: {  	_ =	shalt  }
0x4a: {  	_ =	shalt  }
0x4b: {  	_ =	shalt  }
0x4c: {  	_ =	shalt  }
0x4d: {  	_ =	shalt  }
0x4e: {  	_ =	shalt  }
0x4f: {  	_ =	shalt  }
0x50: {  	_ =	shalt  }
0x51: {  	_ =	shalt  }
0x52: {  	_ =	shalt  }
0x53: {  	_ =	shalt  }
0x54: {  	_ =	shalt  }
0x55: {  	_ =	shalt  }
0x56: {  	_ =	shalt  }
0x57: {  	_ =	shalt  }
0x58: {  	_ =	shalt  }
0x59: {  	_ =	shalt  }
0x5a: {  	_ =	shalt  }
0x5b: {  	_ =	shalt  }
0x5c: {  	_ =	shalt  }
0x5d: {  	_ =	shalt  }
0x5e: {  	_ =	shalt  }
0x5f: {  	_ =	shalt  }
0x60: {  	_ =	shalt  }
0x61: {  	_ =	shalt  }
0x62: {  	_ =	shalt  }
0x63: {  	_ =	shalt  }
0x64: {  	_ =	shalt  }
0x65: {  	_ =	shalt  }
0x66: {  	_ =	shalt  }
0x67: {  	_ =	shalt  }
0x68: {  	_ =	shalt  }
0x69: {  	_ =	shalt  }
0x6a: {  	_ =	shalt  }
0x6b: {  	_ =	shalt  }
0x6c: {  	_ =	shalt  }
0x6d: {  	_ =	shalt  }
0x6e: {  	_ =	shalt  }
0x6f: {  	_ =	shalt  }
0x70: {  	_ =	shalt  }
0x71: {  	_ =	shalt  }
0x72: {  	_ =	shalt  }
0x73: {  	_ =	shalt  }
0x74: {  	_ =	shalt  }
0x75: {  	_ =	shalt  }
0x76: {  	_ =	shalt  }
0x77: {  	_ =	shalt  }
0x78: {  	_ =	shalt  }
0x79: {  	_ =	shalt  }
0x7a: {  	_ =	shalt  }
0x7b: {  	_ =	shalt  }
0x7c: {  	_ =	shalt  }
0x7d: {  	_ =	shalt  }
0x7e: {  	_ =	shalt  }
0x7f: {  	_ =	shalt  }
0x80: {  	_ =	shalt  }
0x81: {  	_ =	shalt  }
0x82: {  	_ =	shalt  }
0x83: {  	_ =	shalt  }
0x84: {  	_ =	shalt  }
0x85: {  	_ =	shalt  }
0x86: {  	_ =	shalt  }
0x87: {  	_ =	shalt  }
.Lfunc_end0:
.L_simem_size_0:
called_computation_lowered:
.L_overlay_start_0:
0x88: {  	s2 =	sld [smem:$0x3FD9]  }
0x89: {  	s3 =	sld [smem:$0x3FFE];
	_ =	sdelay $0x1  }
0x8a: {  	s1 =	srdreg.scid  }
0x8b: {  	s0 =	sand.u32 $0x1, s1  }
0x8c: {  	s17 =	sshll.u32 s0, $0xA;
	s2 =	sadd.s32 s3, s2  }
0x8d: {  	s2 =	sadd.s32 s2, s17  }
0x8e: {  	[smem:$0x3FC5] =	sst s2  }
0x8f: {  	_ = 	snop  }
0x90: {  	s2 =	sld [smem:$0x3FD0];
	(tm) =	ssettm $0x1  }
0x91: {  	s18 =	sld [smem:$0x3FFB];
	_ =	sdelay $0x3  }
0x92: {  	_ =	strace s18  }
0x93: {  	s3 =	sld [smem:$0x3FFC];
	_ =	sdelay $0x3  }
0x94: {  	_ =	strace s3  }
0x95: {  	s3 =	sld [smem:$0x3FFD];
	_ =	sdelay $0x3  }
0x96: {  	_ =	strace s3  }
0x97: {  	_ =	strace $0x8FFFFFFF  }
0x98: {  	s19 =	sld [smem:$0x3FDB];
	_ =	sdelay $0x1  }
0x99: {  	s4 =	simm.s32 $_scs_section_size  }
0x9a: {  	s5 =	simm.s32 $_size__tile_overlayer_lowered;
	s6 =	simm.s32 $_tile_overlayer_lowered  }
0x9b: {  	s22 =	simm.s32 $0x1BFF;
	s21 =	sshll.u32 s6, $0x1;
	s3 =	sadd.s32 s4, s19  }
0x9c: {  	s7 =	simm.s32 $0x0;
	s20 =	sshll.u32 s5, $0x1;
	s5 =	sadd.s32 s21, s3  }
0x9d: {  	[timem:s7], [sflag:s22] =	dma.local [hbm:s5], s20  }
0x9e: {  	_ =	swait.ge [sflag:s22], s20  }
0x9f: {  	s4 =	ssub.s32 $0x0, s20;
	[sflag:s22] =	ssyncset.done $0x0  }
0xa0: {  	[sflag:s22] =	ssyncadd.s32 s4;
	_ =	sdelay $0x1  }
0xa1: {  	s23 =	simm.s32 $0x1B8B  }
0xa2: {  	_ =	swait.ge [sflag:s23], $0x1  }
0xa3: {  	[sflag:s23] =	ssyncset.done $0x0  }
0xa4: {  	s25 =	simm.s32 $0x1B8E;
	s24 =	sld [smem:$0x3FFE];
	[sflag:s23] =	ssyncadd.s32 $0xFFFFFFFF  }
0xa5: {  	s26 =	simm.s32 $execute0_lowered;
	[smem:$0x3FD2] =	sst s25  }
0xa6: {  	s5 =	sshll.u32 s26, $0x1;
	_ =	strace $0x80000046;
	[dreg:$0x1] =	wrdreg $0xFFFFFFFF  }
0xa7: {  	s28 =	simm.s32 $_size_execute0_lowered;
	s3 =	sadd.s32 s3, s5;
	[dreg:$0x0] =	wrdreg $0x0  }
0xa8: {  	s5 =	sshll.u32 s28, $0x1;
	[dreg:$0x2] =	wrdreg s3  }
0xa9: {  	[dreg:$0x3] =	wrdreg s5  }
0xaa: {  	[dreg:$0x4] =	wrdreg $0xC0  }
0xab: {  	_ =	task [dreg:s7], $0x5FFFF  }
0xac: {  	[dreg:$0x1] =	wrdreg $0xFFFFFFFF  }
0xad: {  	[dreg:$0x0] =	wrdreg $0x60  }
0xae: {  	[dreg:$0x2] =	wrdreg s24  }
0xaf: {  	[dreg:$0x3] =	wrdreg s2  }
0xb0: {  	[dreg:$0x4] =	wrdreg $0x9  }
0xb1: {  	_ =	task.clear_ibuf [dreg:s7], $0x5FFFF;
	_ =	strace $0x90000046  }
0xb2: {  	s29 =	simm.s32 $0x9;
	_ =	strace $0x80000048  }
0xb3: {  	_ =	swait.ge [sflag:s29], $0x1  }
0xb4: {  	[sflag:s29] =	ssyncadd.s32 $0xFFFFFFFF  }
0xb5: {  	_ =	strace $0x90000048  }
0xb6: {  	_ =	sfence  }
0xb7: {  	s30 =	sld [smem:$0x0];
	_ =	sdelay $0x2  }
0xb8: {  	s31 =	sshll.u32 s1, $0xD;
	s1 =	sshrl.u32 s1, $0x2  }
0xb9: {  	s3 =	sand.u32 $0x4000, s31;
	s1 =	sadd.s32 s1, s30  }
0xba: {  	s0 =	sor.u32 s3, s0;
	s1 =	sshll.u32 s1, $0x11  }
0xbb: {  	s0 =	sor.u32 s1, s0  }
0xbc: {  	s0 =	sadd.s32 $0x8F2B, s0  }
0xbd: {  	[sflag:s0] =	ssyncadd.remote.s32 $0x1  }
0xbe: {  	_ =	sfence.sel $0xFFFF  }
0xbf: {  	[dreg:$0x0] =	wrdreg $0xFFFFFFFF;
	(pc) =	sbr.abs _section_cstart, $3  }
0xc0: {  	[dreg:$0x1] =	wrdreg $0xFFFFFFFF  }
0xc1: {  	_ =	task.clear_ibuf [dreg:s7], $0x2FFFF;
	_ =	strace $0x9FFFFFFF  }
0xc2: {  	(tm) =	ssettm $0x7FFFFFFF  }
0xc3: {  	_ =	shalt  }
tec
execute0_lowered:
.L_overlay_start_1:
0x0: {  	(tag) =	ssettag $0x1  }
0x1: {  	s1 =	srdreg.scid;
	s4 =	rddreg [dreg:$0x0]  }
0x2: {  	s0 =	stileid.u32;
	s5 =	rddreg [dreg:$0x1]  }
0x3: {  	s2 =	simm.s32 $0x0;
	s12 =	simm.s32 $0x0;
	s3 =	sand.u32 $0x1, s1  }
0x4: {  	s6 =	sshll.u32 s0, $0x9;
	[smem:$0x7FF] =	sst s2;
	s7 =	sshll.u32 s3, $0x8  }
0x5: {  	vm0 =	vmmov $0x1;
	_ =	strace $0x80000047;
	s8 =	ssub.s32 $0x2, s3;
	s6 =	sor.u32 s7, s6  }
0x6: {  	vm1 =	vcmask $0x308;
	vm2 =	vcmask $0x70C;
	vm3 =	vcmask $0xB10;
	s3 =	sadd.s32 $0x800, s4;
	s9 =	sshrl.u32 s8, $0x1;
	s7 =	sshrl.u32 s6, $0x3  }
0x7: {  	vm4 =	vcmask $0xF14;
	vm5 =	vcmask $0x1318;
	vm6 =	vcmask $0x171C;
	s6 =	sshll.u32 s6, $0x4;
	s8 =	ssub.s32 s8, s9;
	s7 =	sadd.s32 s7, s4  }
0x8: {  	vm7 =	vcmask $0x1B20;
	vm8 =	vcmask $0x1F24;
	vm9 =	vcmask $0x2328;
	s10 =	sadd.s32 s6, s4;
	s6 =	sand.u32 $0x7000, s6;
	s31 =	sadd.s32 $0x400, s7  }
0x9: {  	vm10 =	vcmask $0x272C;
	vm11 =	vcmask $0x2B30;
	vm12 =	vcmask $0x2F34;
	s5 =	sadd.s32 s5, s6;
	s6 =	sadd.s32 $0xF42C00, s10;
	s7 =	smax.u32 s8, $0x1  }
0xa: {  	vm13 =	vcmask $0x3338;
	vm14 =	vcmask $0x373C;
	vm15 =	vmmov $0x7fff;
	s8 =	simm.s32 $0x2;
	s10 =	simm.s32 $0x1;
	[dreg:$0x3] =	wrdreg s31  }
.LBB2_1:
0xb: {  	s0 =	rddreg [dreg:$0x3]  }
0xc: {  	[tilespmem:s2], [sflag:$0x2] =	stream.linear.gather [hbm4b:s0+s2], $0x100, $0x38;
	[tilespmem:$0x10100] =	vst v63  }
0xd: {  	_ =	swait.ge [sflag:s8], $0x100  }
0xe: {  	[sflag:s8] =	ssyncset.done $0x0  }
0xf: {  	[sflag:s8] =	ssyncadd.s32 $0xFFFFFF00  }
0x10: {  	v0 =	vld [tilespmem:s2+$0x0];
	_ =	sdelay $0x4  }
0x11: {  	v1 =	vnsel vm0, $0x0, v0  }
0x12: {  	v2 =	vsel vm2, $0x0, v0;
	(xrf0) =	vadd.scan.msk.s32 $0xffff, v1  }
0x13: {  	v40 =	vsel vm3, $0x0, v0;
	(xrf0) =	vadd.scan.msk.s32 $0xffff, v2  }
0x14: {  	v41 =	vsel vm1, $0x0, v0;
	(xrf0) =	vadd.scan.msk.s32 $0xffff, v40  }
0x15: {  	(xrf0) =	vadd.scan.msk.s32 $0xffff, v41;
	_ =	sdelay $0x2  }
0x16: {  	v42, _, _ =	vpop (xrf0)  }
0x17: {  	v43 =	vsel vm8, $0x0, v0;
	(v2sf) =	vpush v42, $0xF;
	v44, _, _ =	vpop (xrf0)  }
0x18: {  	v3 =	vsel vm9, $0x0, v0;
	(xrf0) =	vadd.scan.msk.s32 $0xffff, v43;
	(v2sf) =	vpush v44, $0xF;
	v45, _, _ =	vpop (xrf0)  }
0x19: {  	v46 =	vsel vm5, $0x0, v0;
	(xrf0) =	vadd.scan.msk.s32 $0xffff, v3;
	v47, _, _ =	vpop (xrf0);
	(v2sf) =	vpush v45, $0xF  }
0x1a: {  	v48 =	vsel vm4, $0x0, v0;
	(xrf0) =	vadd.scan.msk.s32 $0xffff, v46;
	(v2sf) =	vpush v47, $0xF  }
0x1b: {  	(xrf0) =	vadd.scan.msk.s32 $0xffff, v48;
	_ =	sdelay $0x1  }
0x1c: {  	v49 =	vsel vm10, $0x0, v0  }
0x1d: {  	v50 =	vsel vm11, $0x0, v0;
	(xrf0) =	vadd.scan.msk.s32 $0xffff, v49;
	v51, _, _ =	vpop (xrf0)  }
0x1e: {  	v52 =	vsel vm12, $0x0, v0;
	(xrf0) =	vadd.scan.msk.s32 $0xffff, v50;
	v53, _, _ =	vpop (xrf0)  }
0x1f: {  	v4 =	vsel vm13, $0x0, v0;
	(xrf0) =	vadd.scan.msk.s32 $0xffff, v52;
	(v2sf) =	vpush v51, $0xF;
	v54, _, _ =	vpop (xrf0)  }
0x20: {  	v55 =	vsel vm14, $0x0, v0;
	(xrf0) =	vadd.scan.msk.s32 $0xffff, v4;
	v56, _, _ =	vpop (xrf0)  }
0x21: {  	v5 =	vsel vm6, $0x0, v0;
	(xrf0) =	vadd.scan.msk.s32 $0xffff, v55;
	(v2sf) =	vpush v56, $0xF  }
0x22: {  	v57 =	vsel vm7, $0x0, v0;
	(xrf0) =	vadd.scan.msk.s32 $0xffff, v5  }
0x23: {  	s13 =	simm.s32 $0x2000;
	s14 =	simm.s32 $0x0;
	s22 =	simm.s32 $0x200;
	(xrf0) =	vadd.scan.msk.s32 $0xffff, v57;
	v58, _, _ =	vpop (xrf0);
	(v2sf) =	vpush v54, $0xF  }
0x24: {  	s23 =	simm.s32 $0x300;
	s18 =	simm.s32 $0x480;
	s15 =	simm.s32 $0x100;
	v59, _, _ =	vpop (xrf0)  }
0x25: {  	s24 =	simm.s32 $0x180;
	s19 =	simm.s32 $0x400;
	(v2sf) =	vpush v58, $0xF;
	v60, _, _ =	vpop (xrf0);
	s16 =	spop (v2sf)  }
0x26: {  	s25 =	simm.s32 $0x380;
	v61, _, _ =	vpop (xrf0);
	s16 =	sshll.u32 s16, $0x4;
	s26 =	spop (v2sf)  }
0x27: {  	s17 =	simm.s32 $0x700;
	v62, _, _ =	vpop (xrf0);
	(v2sf) =	vpush v53, $0xF;
	s20 =	sand.u32 $0x1FFFFFF0, s16;
	s28 =	spop (v2sf)  }
0x28: {  	s21 =	simm.s32 $0x600;
	v63, _, _ =	vpop (xrf0);
	s20 =	sadd.s32 s3, s20;
	s29 =	spop (v2sf)  }
0x29: {  	v6, _, _ =	vpop (xrf0);
	(v2sf) =	vpush v63, $0xF;
	[tilespmem:s15], [sflag:$0x1] =	stream.linear.gather [hbm4b:s20+s2], $0x80, $0x38;
	[tilespmem:$0x10100] =	vst v63  }
0x2a: {  	s9 =	simm.s32 $0x280;
	(v2sf) =	vpush v6, $0xF;
	s26 =	sshll.u32 s26, $0x4;
	s29 =	sshll.u32 s29, $0x4  }
0x2b: {  	s16 =	simm.s32 $0x780;
	s26 =	sand.u32 $0x1FFFFFF0, s26;
	s29 =	sand.u32 $0x1FFFFFF0, s29  }
0x2c: {  	s28 =	sshll.u32 s28, $0x4;
	(v2sf) =	vpush v59, $0xF;
	s15 =	simm.s32 $0x10;
	s29 =	sadd.s32 s3, s29  }
0x2d: {  	[tilespmem:s24], [sflag:$0x1] =	stream.linear.gather [hbm4b:s29+s2], $0x80, $0x38;
	[tilespmem:$0x10100] =	vst v63  }
0x2e: {  	s28 =	sand.u32 $0x1FFFFFF0, s28;
	s26 =	sadd.s32 s3, s26;
	s1 =	spop (v2sf)  }
0x2f: {  	v0 =	vsel vm15, $0x0, v0;
	[tilespmem:s22], [sflag:$0x1] =	stream.linear.gather [hbm4b:s26+s2], $0x80, $0x38;
	[tilespmem:$0x10100] =	vst v63  }
0x30: {  	(xrf0) =	vadd.scan.msk.s32 $0xffff, v0;
	s20 =	simm.s32 $0x680;
	(v2sf) =	vpush v60, $0xF;
	s28 =	sadd.s32 s3, s28;
	s4 =	spop (v2sf)  }
0x31: {  	[tilespmem:s9], [sflag:$0x1] =	stream.linear.gather [hbm4b:s28+s2], $0x80, $0x38;
	[tilespmem:$0x10100] =	vst v63  }
0x32: {  	(v2sf) =	vpush v61, $0xF;
	s24 =	sshll.u32 s1, $0x4;
	s26 =	sshll.u32 s4, $0x4;
	s28 =	spop (v2sf)  }
0x33: {  	s22 =	simm.s32 $0x580;
	s26 =	sand.u32 $0x1FFFFFF0, s26;
	s28 =	sshll.u32 s28, $0x4  }
0x34: {  	s29 =	spop (v2sf);
	s28 =	sand.u32 $0x1FFFFFF0, s28;
	s26 =	sadd.s32 s3, s26  }
0x35: {  	[tilespmem:s23], [sflag:$0x1] =	stream.linear.gather [hbm4b:s26+s2], $0x80, $0x38;
	[tilespmem:$0x10100] =	vst v63  }
0x36: {  	s26 =	simm.s32 $0x500;
	s28 =	sadd.s32 s3, s28;
	s11 =	spop (v2sf);
	(v2sf) =	vpush v62, $0xF  }
0x37: {  	v0, _, _ =	vpop (xrf0);
	[tilespmem:s25], [sflag:$0x1] =	stream.linear.gather [hbm4b:s28+s2], $0x80, $0x38;
	[tilespmem:$0x10100] =	vst v63  }
0x38: {  	s28 =	sand.u32 $0x1FFFFFF0, s24;
	s25 =	sshll.u32 s29, $0x4;
	s31 =	spop (v2sf);
	(v2sf) =	vpush v0, $0xF  }
0x39: {  	s29 =	sand.u32 $0x1FFFFFF0, s25;
	s25 =	sshll.u32 s31, $0x4;
	s30 =	spop (v2sf)  }
0x3a: {  	s24 =	sshll.u32 s11, $0x4;
	s23 =	sand.u32 $0x1FFFFFF0, s25;
	s30 =	sshll.u32 s30, $0x4  }
.LBB2_2:
0x3b: {  	s23 =	sadd.s32 s3, s23;
	s25 =	sand.u32 $0x1FFFFFF0, s30;
	s30 =	spop (v2sf)  }
0x3c: {  	[tilespmem:s19], [sflag:$0x1] =	stream.linear.gather [hbm4b:s23+s2], $0x80, $0x38;
	[tilespmem:$0x10100] =	vst v63  }
0x3d: {  	s19 =	sadd.s32 s3, s25;
	s23 =	sand.u32 $0x1FFFFFF0, s24;
	s24 =	sshll.u32 s30, $0x4  }
0x3e: {  	[tilespmem:s18], [sflag:$0x1] =	stream.linear.gather [hbm4b:s19+s2], $0x80, $0x38;
	[tilespmem:$0x10100] =	vst v63  }
0x3f: {  	s18 =	sadd.s32 s3, s28;
	s19 =	sand.u32 $0x1FFFFFF0, s24;
	s24 =	spop (v2sf)  }
0x40: {  	[tilespmem:s26], [sflag:$0x1] =	stream.linear.gather [hbm4b:s18+s2], $0x80, $0x38;
	[tilespmem:$0x10100] =	vst v63  }
0x41: {  	s18 =	sadd.s32 s3, s23;
	s23 =	sshll.u32 s24, $0x4;
	s24 =	spop (v2sf)  }
0x42: {  	[tilespmem:s22], [sflag:$0x1] =	stream.linear.gather [hbm4b:s18+s2], $0x80, $0x38;
	[tilespmem:$0x10100] =	vst v63  }
0x43: {  	s18 =	sadd.s32 s3, s29;
	s22 =	sand.u32 $0x1FFFFFF0, s23;
	s23 =	sshll.u32 s24, $0x4  }
0x44: {  	[tilespmem:s21], [sflag:$0x1] =	stream.linear.gather [hbm4b:s18+s2], $0x80, $0x38;
	[tilespmem:$0x10100] =	vst v63  }
0x45: {  	s18 =	sadd.s32 s3, s19;
	s19 =	sand.u32 $0x1FFFFFF0, s23;
	s21 =	spop (v2sf)  }
0x46: {  	[tilespmem:s20], [sflag:$0x1] =	stream.linear.gather [hbm4b:s18+s2], $0x80, $0x38;
	[tilespmem:$0x10100] =	vst v63  }
0x47: {  	s18 =	sadd.s32 s3, s22;
	s20 =	sshll.u32 s21, $0x4;
	s21 =	spop (v2sf)  }
0x48: {  	[tilespmem:s17], [sflag:$0x1] =	stream.linear.gather [hbm4b:s18+s2], $0x80, $0x38;
	[tilespmem:$0x10100] =	vst v63  }
0x49: {  	s17 =	sadd.s32 s3, s19;
	s18 =	sand.u32 $0x1FFFFFF0, s20;
	s19 =	sshll.u32 s21, $0x4  }
0x4a: {  	[tilespmem:s16], [sflag:$0x1] =	stream.linear.gather [hbm4b:s17+s2], $0x80, $0x38;
	[tilespmem:$0x10100] =	vst v63  }
0x4b: {  	s16 =	sadd.s32 $0x800, s14;
	s17 =	sadd.s32 s3, s18;
	s18 =	sand.u32 $0x1FFFFFF0, s19  }
0x4c: {  	[tilespmem:s16], [sflag:$0x1] =	stream.linear.gather [hbm4b:s17+s2], $0x80, $0x38;
	[tilespmem:$0x10100] =	vst v63  }
0x4d: {  	p0 =	sne.s32 s13, $0x1E000;
	s14 =	sadd.s32 $0x880, s14;
	s16 =	sadd.s32 s3, s18  }
0x4e: {  	[tilespmem:s14], [sflag:$0x1] =	stream.linear.gather [hbm4b:s16+s2], $0x80, $0x38;
	[tilespmem:$0x10100] =	vst v63  }
0x4f: {  	s14 =	smov.u32 s13;
	s13 =	sadd.s32 $0x2000, s13;
	v0 =	vld [tilespmem:s15+$0x0];
	_ =	sdelay $0x4  }
0x50: {  	v1 =	vnsel vm0, $0x0, v0;
	v2 =	vsel vm3, $0x0, v0;
	v3 =	vsel vm14, $0x0, v0  }
0x51: {  	v4 =	vsel vm2, $0x0, v0;
	v5 =	vsel vm15, $0x0, v0;
	(xrf0) =	vadd.scan.msk.s32 $0xffff, v1  }
0x52: {  	v6 =	vsel vm6, $0x0, v0;
	v1 =	vsel vm1, $0x0, v0;
	(xrf0) =	vadd.scan.msk.s32 $0xffff, v4  }
0x53: {  	v4 =	vsel vm7, $0x0, v0;
	(xrf0) =	vadd.scan.msk.s32 $0xffff, v2  }
0x54: {  	v2 =	vsel vm8, $0x0, v0;
	(xrf0) =	vadd.scan.msk.s32 $0xffff, v1  }
0x55: {  	v1 =	vsel vm9, $0x0, v0;
	(xrf0) =	vadd.scan.msk.s32 $0xffff, v2  }
0x56: {  	v2 =	vsel vm5, $0x0, v0;
	(xrf0) =	vadd.scan.msk.s32 $0xffff, v1  }
0x57: {  	v1 =	vsel vm4, $0x0, v0;
	v7, _, _ =	vpop (xrf0);
	(xrf0) =	vadd.scan.msk.s32 $0xffff, v2  }
0x58: {  	v2 =	vsel vm10, $0x0, v0;
	(v2sf) =	vpush v7, $0xF;
	v7, _, _ =	vpop (xrf0);
	(xrf0) =	vadd.scan.msk.s32 $0xffff, v1  }
0x59: {  	v9 =	vsel vm11, $0x0, v0;
	(v2sf) =	vpush v7, $0xF;
	v7, _, _ =	vpop (xrf0);
	(xrf0) =	vadd.scan.msk.s32 $0xffff, v2  }
0x5a: {  	s14 =	sshra.s32 s14, $0x2;
	v2 =	vsel vm12, $0x0, v0;
	v8, _, _ =	vpop (xrf0);
	(v2sf) =	vpush v7, $0xF;
	(xrf0) =	vadd.scan.msk.s32 $0xffff, v9  }
0x5b: {  	s24 =	sadd.s32 $0x200, s14;
	v7 =	vsel vm13, $0x0, v0;
	(v2sf) =	vpush v8, $0xF;
	v1, _, _ =	vpop (xrf0);
	(xrf0) =	vadd.scan.msk.s32 $0xffff, v2  }
0x5c: {  	s23 =	sadd.s32 $0x300, s14;
	s18 =	sadd.s32 $0x480, s14;
	(v2sf) =	vpush v1, $0xF;
	v1, _, _ =	vpop (xrf0);
	(xrf0) =	vadd.scan.msk.s32 $0xffff, v7  }
0x5d: {  	s26 =	sadd.s32 $0x100, s14;
	s29 =	sadd.s32 $0x180, s14;
	v0, _, _ =	vpop (xrf0);
	(xrf0) =	vadd.scan.msk.s32 $0xffff, v3  }
0x5e: {  	s19 =	sadd.s32 $0x400, s14;
	v2, _, _ =	vpop (xrf0);
	(xrf0) =	vadd.scan.msk.s32 $0xffff, v6  }
0x5f: {  	s25 =	sadd.s32 $0x380, s14;
	(v2sf) =	vpush v2, $0xF;
	(xrf0) =	vadd.scan.msk.s32 $0xffff, v4;
	v2, _, _ =	vpop (xrf0)  }
0x60: {  	(v2sf) =	vpush v0, $0xF;
	v0, _, _ =	vpop (xrf0);
	(xrf0) =	vadd.scan.msk.s32 $0xffff, v5  }
0x61: {  	(v2sf) =	vpush v2, $0xF;
	v2, _, _ =	vpop (xrf0)  }
0x62: {  	v3, _, _ =	vpop (xrf0)  }
0x63: {  	v4, _, _ =	vpop (xrf0)  }
0x64: {  	v5, _, _ =	vpop (xrf0);
	(v2sf) =	vpush v1, $0xF  }
0x65: {  	v1, _, _ =	vpop (xrf0)  }
0x66: {  	s15 =	sadd.s32 $0x10, s15;
	s17 =	sadd.s32 $0x700, s14;
	s16 =	sadd.s32 $0x780, s14;
	(v2sf) =	vpush v5, $0xF;
	v5, _, _ =	vpop (xrf0)  }
0x67: {  	s21 =	sadd.s32 $0x600, s14;
	s20 =	sadd.s32 $0x680, s14;
	s22 =	spop (v2sf)  }
0x68: {  	s28 =	sshll.u32 s22, $0x4;
	s22 =	sadd.s32 $0x580, s14;
	s30 =	spop (v2sf);
	(v2sf) =	vpush v1, $0xF  }
0x69: {  	s28 =	sand.u32 $0x1FFFFFF0, s28;
	s30 =	sshll.u32 s30, $0x4;
	s31 =	spop (v2sf)  }
0x6a: {  	s28 =	sadd.s32 s3, s28;
	s30 =	sand.u32 $0x1FFFFFF0, s30;
	s1 =	spop (v2sf)  }
0x6b: {  	s31 =	sshll.u32 s31, $0x4;
	s1 =	sshll.u32 s1, $0x4;
	s0 =	spop (v2sf)  }
0x6c: {  	s31 =	sand.u32 $0x1FFFFFF0, s31;
	s1 =	sand.u32 $0x1FFFFFF0, s1;
	s0 =	sshll.u32 s0, $0x4;
	(v2sf) =	vpush v0, $0xF  }
0x6d: {  	[tilespmem:s26], [sflag:$0x1] =	stream.linear.gather [hbm4b:s28+s2], $0x80, $0x38;
	[tilespmem:$0x10100] =	vst v63  }
0x6e: {  	s26 =	sadd.s32 $0x500, s14;
	s28 =	sand.u32 $0x1FFFFFF0, s0;
	s0 =	spop (v2sf)  }
0x6f: {  	s9 =	sadd.s32 $0x280, s14;
	s0 =	sshll.u32 s0, $0x4;
	s11 =	spop (v2sf)  }
0x70: {  	s0 =	sand.u32 $0x1FFFFFF0, s0;
	s11 =	sshll.u32 s11, $0x4;
	s4 =	spop (v2sf);
	(v2sf) =	vpush v2, $0xF  }
0x71: {  	s1 =	sadd.s32 s3, s1;
	s11 =	sand.u32 $0x1FFFFFF0, s11;
	s4 =	sshll.u32 s4, $0x4  }
0x72: {  	[tilespmem:s29], [sflag:$0x1] =	stream.linear.gather [hbm4b:s1+s2], $0x80, $0x38;
	(v2sf) =	vpush v3, $0xF;
	[tilespmem:$0x10100] =	vst v63  }
0x73: {  	s1 =	sadd.s32 s3, s30;
	s29 =	sand.u32 $0x1FFFFFF0, s4;
	s4 =	spop (v2sf)  }
0x74: {  	[tilespmem:s24], [sflag:$0x1] =	stream.linear.gather [hbm4b:s1+s2], $0x80, $0x38;
	[tilespmem:$0x10100] =	vst v63  }
0x75: {  	s1 =	sadd.s32 s3, s31;
	s24 =	sshll.u32 s4, $0x4;
	s4 =	spop (v2sf)  }
0x76: {  	[tilespmem:s9], [sflag:$0x1] =	stream.linear.gather [hbm4b:s1+s2], $0x80, $0x38;
	[tilespmem:$0x10100] =	vst v63  }
.Ltmp0:
0x77: {  	(v2sf) =	vpush v4, $0xF;
	(pc) =	sbr.rel @p0 .LBB2_2-.Ltmp0, $4  }
0x78: {  	s0 =	sadd.s32 s3, s0;
	s1 =	sshll.u32 s4, $0x4;
	s4 =	spop (v2sf)  }
0x79: {  	[tilespmem:s23], [sflag:$0x1] =	stream.linear.gather [hbm4b:s0+s2], $0x80, $0x38;
	(v2sf) =	vpush v5, $0xF;
	[tilespmem:$0x10100] =	vst v63  }
0x7a: {  	s0 =	sadd.s32 s3, s11;
	s23 =	sand.u32 $0x1FFFFFF0, s1;
	s30 =	sshll.u32 s4, $0x4  }
0x7b: {  	[tilespmem:s25], [sflag:$0x1] =	stream.linear.gather [hbm4b:s0+s2], $0x80, $0x38;
	[tilespmem:$0x10100] =	vst v63  }
0x7c: {  	s0 =	sadd.s32 s3, s23;
	s1 =	sand.u32 $0x1FFFFFF0, s30;
	s4 =	spop (v2sf)  }
0x7d: {  	[tilespmem:s19], [sflag:$0x1] =	stream.linear.gather [hbm4b:s0+s2], $0x80, $0x38;
	[tilespmem:$0x10100] =	vst v63  }
0x7e: {  	s30 =	sand.u32 $0x1FFFFFF0, s24;
	s31 =	sadd.s32 s3, s28;
	s25 =	sadd.s32 s3, s1  }
0x7f: {  	[tilespmem:s18], [sflag:$0x1] =	stream.linear.gather [hbm4b:s25+s2], $0x80, $0x38;
	[tilespmem:$0x10100] =	vst v63  }
0x80: {  	s13 =	sadd.s32 s3, s29;
	s4 =	sshll.u32 s4, $0x4;
	s9 =	spop (v2sf)  }
0x81: {  	[tilespmem:s26], [sflag:$0x1] =	stream.linear.gather [hbm4b:s31+s2], $0x80, $0x38;
	[tilespmem:$0x10100] =	vst v63  }
0x82: {  	s1 =	sadd.s32 s3, s30;
	s9 =	sshll.u32 s9, $0x4;
	s11 =	spop (v2sf)  }
0x83: {  	[tilespmem:s22], [sflag:$0x1] =	stream.linear.gather [hbm4b:s1+s2], $0x80, $0x38;
	[tilespmem:$0x10100] =	vst v63  }
0x84: {  	s4 =	sand.u32 $0x1FFFFFF0, s4;
	s1 =	sand.u32 $0x1FFFFFF0, s9;
	s9 =	sshll.u32 s11, $0x4  }
0x85: {  	[tilespmem:s21], [sflag:$0x1] =	stream.linear.gather [hbm4b:s13+s2], $0x80, $0x38;
	[tilespmem:$0x10100] =	vst v63  }
0x86: {  	s15 =	sadd.s32 s3, s4;
	s18 =	sand.u32 $0x1FFFFFF0, s9;
	s19 =	spop (v2sf)  }
0x87: {  	[tilespmem:s20], [sflag:$0x1] =	stream.linear.gather [hbm4b:s15+s2], $0x80, $0x38;
	[tilespmem:$0x10100] =	vst v63  }
0x88: {  	s21 =	sadd.s32 s3, s1;
	s22 =	sshll.u32 s19, $0x4;
	s23 =	spop (v2sf)  }
0x89: {  	[tilespmem:s17], [sflag:$0x1] =	stream.linear.gather [hbm4b:s21+s2], $0x80, $0x38;
	[tilespmem:$0x10100] =	vst v63  }
0x8a: {  	s24 =	sadd.s32 s3, s18;
	s1 =	sand.u32 $0x1FFFFFF0, s22;
	s25 =	sshll.u32 s23, $0x4  }
0x8b: {  	[tilespmem:s16], [sflag:$0x1] =	stream.linear.gather [hbm4b:s24+s2], $0x80, $0x38;
	[tilespmem:$0x10100] =	vst v63  }
0x8c: {  	s26 =	sadd.s32 $0x800, s14;
	s1 =	sadd.s32 s3, s1;
	s4 =	sand.u32 $0x1FFFFFF0, s25  }
0x8d: {  	[tilespmem:s26], [sflag:$0x1] =	stream.linear.gather [hbm4b:s1+s2], $0x80, $0x38;
	[tilespmem:$0x10100] =	vst v63  }
0x8e: {  	s28 =	sadd.s32 $0x880, s14;
	s29 =	sadd.s32 s3, s4  }
0x8f: {  	[tilespmem:s28], [sflag:$0x1] =	stream.linear.gather [hbm4b:s29+s2], $0x80, $0x38;
	[tilespmem:$0x10100] =	vst v63  }
0x90: {  	s30 =	simm.s32 $0x0;
	s31 =	simm.s32 $0x8100  }
0x91: {  	[tilespmem:s31], [sflag:$0x2] =	stream.linear.gather [hbm4b:s5+s30], $0x8000, $0x38;
	[tilespmem:$0x10100] =	vst v63  }
0x92: {  	_ =	swait.ge [sflag:s8], $0x8000  }
0x93: {  	[sflag:s8] =	ssyncset.done $0x0  }
0x94: {  	[sflag:s8] =	ssyncadd.s32 $0xFFFF8000  }
0x95: {  	_ =	swait.ge [sflag:s10], $0x8000  }
0x96: {  	[sflag:s10] =	ssyncset.done $0x0  }
0x97: {  	s13 =	simm.s32 $0x0;
	[sflag:s10] =	ssyncadd.s32 $0xFFFF8000  }
0x98: {  	v5 =	vld [tilespmem:s13+$0x8100]  }
0x99: {  	v6 =	vld [tilespmem:s13+$0x8110]  }
0x9a: {  	v1 =	vld [tilespmem:s13+$0x8120]  }
0x9b: {  	v0 =	vld [tilespmem:s13+$0x8130]  }
0x9c: {  	v2 =	vld [tilespmem:s13+$0x100]  }
0x9d: {  	v4 =	vld [tilespmem:s13+$0x110]  }
0x9e: {  	s14 =	simm.s32 $0x200;
	v3 =	vld [tilespmem:s13+$0x120]  }
.LBB2_4:
0x9f: {  	s0 =	sshra.s32 s14, $0x2;
	p0 =	sne.s32 s14, $0x1FE00;
	v7 =	vld [tilespmem:s13+$0x130];
	v8 =	vmov v1  }
0xa0: {  	v9 =	vld [tilespmem:s0+$0x8100];
	v10 =	vmov v0  }
0xa1: {  	v11 =	vld [tilespmem:s0+$0x8110];
	v2 =	vadd.f32 v5, v2  }
.Ltmp1:
0xa2: {  	v1 =	vld [tilespmem:s0+$0x8120];
	v4 =	vadd.f32 v6, v4;
	(pc) =	sbr.rel @p0 .LBB2_4-.Ltmp1, $4  }
0xa3: {  	v0 =	vld [tilespmem:s0+$0x8130];
	[tilespmem:s13+$0x100] =	vst v2;
	v3 =	vadd.f32 v8, v3  }
0xa4: {  	v2 =	vld [tilespmem:s0+$0x100];
	[tilespmem:s13+$0x110] =	vst v4;
	v7 =	vadd.f32 v10, v7  }
0xa5: {  	v4 =	vld [tilespmem:s0+$0x110];
	[tilespmem:s13+$0x120] =	vst v3;
	v5 =	vmov v9  }
0xa6: {  	s14 =	sadd.s32 $0x200, s14;
	v3 =	vld [tilespmem:s0+$0x120];
	[tilespmem:s13+$0x130] =	vst v7;
	v6 =	vmov v11;
	s13 =	smov.u32 s0  }
0xa7: {  	v7 =	vld [tilespmem:s13+$0x130];
	_ =	sdelay $0x1  }
0xa8: {  	v2 =	vadd.f32 v5, v2  }
0xa9: {  	v4 =	vadd.f32 v6, v4  }
0xaa: {  	[tilespmem:s13+$0x100] =	vst v2;
	v1 =	vadd.f32 v1, v3  }
0xab: {  	s12 =	sadd.s32 $0x1, s12;
	[tilespmem:s13+$0x110] =	vst v4;
	v0 =	vadd.f32 v0, v7  }
0xac: {  	p0 =	sne.s32 s12, s7;
	[tilespmem:s13+$0x120] =	vst v1  }
.Ltmp2:
0xad: {  	s0 =	simm.s32 $0x100;
	[tilespmem:s13+$0x130] =	vst v0;
	(pc) =	sbr.rel @p0 .LBB2_1-.Ltmp2, $4  }
0xae: {  	[hbm4b:s6+s2] =	stream.linear.scatter [tilespmem:s0], [sflag:$0x2], $0x8000, $0x38;
	[tilespmem:$0x10100] =	vst v63  }
0xaf: {  	_ =	swait.ge [sflag:s8], $0x8000  }
0xb0: {  	[sflag:s8] =	ssyncset.done $0x0  }
0xb1: {  	[sflag:s8] =	ssyncadd.s32 $0xFFFF8000  }
0xb2: {  	_ =	sfence.sel $0x180000  }
0xb3: {  	[bflag:$0x0] =	sbarrier.arrive $0xFFFF  }
0xb4: {  	_ =	strace $0x90000047  }
0xb5: {  	s0 =	stileid.u32;
	[bflag:$0x2] =	sbarrier.arrive $0xFFFF  }
0xb6: {  	p0 =	sne.s32 s0, $0x0;
	s0 =	rddreg [dreg:$0x2]  }
0xb7: {  	s0 =	sadd.s32 @!p0 $0x100000, s0  }
0xb8: {  	[sflag:s0] =	ssyncadd.tile.s32 @!p0 $0x1;
	_ =	shalt  }
.Lfunc_end2:
_tile_overlayer_lowered:
.L_overlay_start_2:
0xb9: {  	(tag) =	ssettag $0x2  }
0xba: {  	s0 =	rddreg [dreg:$0x0];
	s2 =	stileid.u32  }
0xbb: {  	s1 =	rddreg [dreg:$0x1];
	p0 =	sne.s32 s2, $0x0  }
0xbc: {  	s3 =	rddreg [dreg:$0x2];
	[bflag:$0x3] =	sbarrier.arrive $0xFFFF;
	s2 =	simm.s32 @!p0 $0x1C02  }
0xbd: {  	[timem:s3], [sflag:s2] =	dma.local @!p0 [hbm:s0], s1  }
0xbe: {  	s0 =	simm.s32 @!p0 $0x2  }
0xbf: {  	_ =	swait.ge @!p0 [sflag:s0], s1  }
0xc0: {  	s1 =	ssub.s32 @!p0 $0x0, s1;
	[sflag:s0] =	ssyncset.done @!p0 $0x0  }
0xc1: {  	[sflag:s0] =	ssyncadd.s32 @!p0 s1  }
0xc2: {  	[bflag:$0x3] =	sbarrier.arrive $0xFFFF  }
0xc3: {  	_ =	shalt  }

</sc_bundles>
